<compile_context>
chip_gen: v7x
topology: tpu7x:2x2x1
jax: 0.10.2.dev20260603
libtpu: 0.0.44.dev20260713+nightly
codegen_flags: <defaults>
</compile_context>

<pallas_src>
import functools

import jax
import jax.numpy as jnp
from jax import lax
from jax.experimental import pallas as pl
from jax.experimental.pallas import tpu as pltpu
from jax.experimental.pallas import tpu_sc as plsc

VOCAB = 1000000
D = 64
T = 200
B = 4096

NC = 2
NS = 16
NW = NC * NS

ROWS = B // NW
NBUF = 2

_mesh = plsc.VectorSubcoreMesh(core_axis_name="c", subcore_axis_name="s")

_scratch = []
for _ in range(NBUF):
    _scratch += [
        pltpu.VMEM((T,), jnp.int32),
        pltpu.VMEM((T, 2 * D), jnp.float32),
        pltpu.VMEM((T * D,), jnp.float32),
    ]
_scratch += [
    pltpu.VMEM((T, D), jnp.float32),
    pltpu.SemaphoreType.DMA((NBUF,)),
    pltpu.SemaphoreType.DMA((NBUF,)),
    pltpu.SemaphoreType.DMA((NBUF,)),
]


@functools.partial(
    pl.kernel,
    mesh=_mesh,
    out_type=jax.ShapeDtypeStruct((B, T * D), jnp.float32),
    compiler_params=pltpu.CompilerParams(needs_layout_passes=False),
    scratch_types=_scratch,
)
def _embed(x_hbm, tab_hbm, pos_hbm, out_hbm, *scr):
    xi = [scr[3 * b + 0] for b in range(NBUF)]
    rv = [scr[3 * b + 1] for b in range(NBUF)]
    ov = [scr[3 * b + 2] for b in range(NBUF)]
    pos_v, sem_i, sem_g, sem_o = scr[3 * NBUF:]

    wid = lax.axis_index("s") * NC + lax.axis_index("c")
    row0 = pl.multiple_of(wid * ROWS, ROWS)
    pltpu.sync_copy(pos_hbm, pos_v)

    def group_body(g):
        for b in range(NBUF):
            pltpu.async_copy(x_hbm.at[row0 + g + b], xi[b], sem_i.at[b])
        for b in range(NBUF):
            pltpu.make_async_copy(x_hbm.at[row0 + g + b], xi[b],
                                  sem_i.at[b]).wait()
            pltpu.async_copy(tab_hbm.at[xi[b]], rv[b], sem_g.at[b])
        for b in range(NBUF):
            pltpu.make_async_copy(tab_hbm.at[xi[b]], rv[b],
                                  sem_g.at[b]).wait()

            def tok_body(i, carry, b=b):
                for fg in range(D // 16):
                    sl = pl.ds(fg * 16, 16)
                    ov[b][pl.ds(i * D + fg * 16, 16)] = (
                        rv[b][i, sl] + pos_v[i, sl])
                return carry

            lax.fori_loop(0, T, tok_body, 0, unroll=8)
            pltpu.async_copy(ov[b], out_hbm.at[row0 + g + b], sem_o.at[b])
        for b in range(NBUF):
            pltpu.make_async_copy(ov[b], out_hbm.at[row0 + g + b],
                                  sem_o.at[b]).wait()

    pl.loop(0, ROWS, step=NBUF)(group_body)


def kernel(x, text_embedding, positional_embedding):
    tab = jnp.pad(text_embedding, ((0, 0), (0, D)))
    out = _embed(x.astype(jnp.int32), tab, positional_embedding)
    return out.reshape(B, T, D)

# --- scband reference (transcript-rebuilt; emitter-appended) ---
"""Pipeline reference for scband-clipembedding-87050397155534 (READ-ONLY COPY).

The authoritative reference and input builder live on the scoring server;
editing this copy changes nothing except your own understanding.
"""

import jax, jax.numpy as jnp
import numpy as np

VOCAB = 1000000
N_EMB = 64
TOKEN = 200
BATCH = 4096

def setup_inputs(seed: int = 0) -> dict:
    key = jax.random.key(seed)
    k1, k2, k3 = jax.random.split(key, 3)
    x = jax.random.randint(k1, (BATCH, TOKEN), 0, VOCAB, dtype=jnp.int64 if jax.config.jax_enable_x64 else jnp.int32)
    text_embedding = jax.random.normal(k2, (VOCAB, N_EMB), dtype=jnp.float32) * 0.02
    positional_embedding = jnp.zeros((TOKEN, N_EMB), dtype=jnp.float32)
    return {"x": x, "text_embedding": text_embedding, "positional_embedding": positional_embedding}

def reference(x, text_embedding, positional_embedding):
    # nn.Embedding lookup -> gather rows of the table
    emb = jnp.take(text_embedding, x, axis=0)  # [B, TOKEN, N_EMB]
    out = emb + positional_embedding  # broadcast over batch
    return out

if __name__ == "__main__":
    import jax
    _d = setup_inputs()
    print(jax.jit(kernel)(*tuple(_d.values())))

</pallas_src>

<mosaic_0001>
#map = affine_map<(d0, d1) -> (0, 0)>
module attributes {stable_mosaic.version = 14 : i64} {
  func.func @_embed(%arg0: i32, %arg1: i32, %arg2: memref<4096x200xi32, #tpu.memory_space<hbm>>, %arg3: memref<1000000x128xf32, #tpu.memory_space<hbm>>, %arg4: memref<200x64xf32, #tpu.memory_space<hbm>>, %arg5: memref<4096x12800xf32, #tpu.memory_space<hbm>>, %arg6: memref<200xi32, #tpu.memory_space<vmem>>, %arg7: memref<200x128xf32, #tpu.memory_space<vmem>>, %arg8: memref<12800xf32, #tpu.memory_space<vmem>>, %arg9: memref<200xi32, #tpu.memory_space<vmem>>, %arg10: memref<200x128xf32, #tpu.memory_space<vmem>>, %arg11: memref<12800xf32, #tpu.memory_space<vmem>>, %arg12: memref<200x64xf32, #tpu.memory_space<vmem>>, %arg13: memref<2x!tpu.dma_semaphore, #tpu.memory_space<semaphore_mem>>, %arg14: memref<2x!tpu.dma_semaphore, #tpu.memory_space<semaphore_mem>>, %arg15: memref<2x!tpu.dma_semaphore, #tpu.memory_space<semaphore_mem>>) attributes {dimension_semantics = [#tpu.dimension_semantics<core_parallel>, #tpu.dimension_semantics<subcore_parallel>], iteration_bounds = array<i64: 2, 16>, scalar_prefetch = 0 : i64, scratch_operands = 10 : i64, tpu.core_type = #tpu.core_type<sc_vector_subcore>, window_params = [{transform_indices = #map}, {transform_indices = #map}, {transform_indices = #map}, {transform_indices = #map}]} {
    %mul3A = arith.constant 2 : i32
    %mul3A_0 = arith.muli %arg1, %mul3A : i32
    %add3A = arith.addi %mul3A_0, %arg0 : i32
    %mul3A_1 = arith.constant 128 : i32
    %mul3A_2 = arith.muli %add3A, %mul3A_1 : i32
    %multiple_of3A = tpu.assume_multiple %mul3A_2, 128 : i32
    "tpu.region"() ({
      %run_scoped3A = tpu.sem_alloc : memref<!tpu.dma_semaphore, #tpu.memory_space<semaphore_mem>>
      tpu.enqueue_dma source(%arg4 : memref<200x64xf32, #tpu.memory_space<hbm>>) target(%arg12 : memref<200x64xf32, #tpu.memory_space<vmem>>) target_semaphore(%run_scoped3A : memref<!tpu.dma_semaphore, #tpu.memory_space<semaphore_mem>>)
      tpu.wait_dma2 semaphore(%run_scoped3A : memref<!tpu.dma_semaphore, #tpu.memory_space<semaphore_mem>>) src(%arg4 : memref<200x64xf32, #tpu.memory_space<hbm>>) dst(%arg12 : memref<200x64xf32, #tpu.memory_space<vmem>>)
      tpu.yield
    }) : () -> ()
    %scan3A = arith.constant 0 : i32
    %scan3A_3 = arith.constant 64 : i32
    %scan3A_4 = arith.addi %scan3A, %scan3A_3 : i32
    %scan3A_5 = arith.constant 1 : i32
    scf.for %scan3A_7 = %scan3A to %scan3A_4 step %scan3A_5  : i32 {
      %mul3A_8 = arith.constant 2 : i32
      %mul3A_9 = arith.muli %scan3A_7, %mul3A_8 : i32
      %add3A_10 = arith.constant 0 : i32
      %add3A_11 = arith.addi %add3A_10, %mul3A_9 : i32
      %add3A_12 = arith.addi %multiple_of3A, %add3A_11 : i32
      %add3A_13 = arith.constant 0 : i32
      %add3A_14 = arith.addi %add3A_12, %add3A_13 : i32
      %dma_start3A = arith.constant 0 : i32
      %dma_start3A_15 = arith.constant 0 : i32
      %dma_start3A_16 = tpu.memref_slice %arg2[%add3A_14, %dma_start3A_15] : memref<4096x200xi32, #tpu.memory_space<hbm>> -> memref<1x200xi32, #tpu.memory_space<hbm>>
      %dma_start3A_17 = tpu.memref_squeeze %dma_start3A_16 : memref<1x200xi32, #tpu.memory_space<hbm>> -> memref<200xi32, #tpu.memory_space<hbm>>
      %dma_start3A_18 = tpu.memref_slice %arg13[%dma_start3A] : memref<2x!tpu.dma_semaphore, #tpu.memory_space<semaphore_mem>> -> memref<1x!tpu.dma_semaphore, #tpu.memory_space<semaphore_mem>>
      %dma_start3A_19 = tpu.memref_squeeze %dma_start3A_18 : memref<1x!tpu.dma_semaphore, #tpu.memory_space<semaphore_mem>> -> memref<!tpu.dma_semaphore, #tpu.memory_space<semaphore_mem>>
      %dma_start3A_20 = arith.constant 0 : i32
      %dma_start3A_21 = tpu.memref_slice %arg2[%add3A_14, %dma_start3A_20] : memref<4096x200xi32, #tpu.memory_space<hbm>> -> memref<1x200xi32, #tpu.memory_space<hbm>>
      %dma_start3A_22 = tpu.memref_squeeze %dma_start3A_21 : memref<1x200xi32, #tpu.memory_space<hbm>> -> memref<200xi32, #tpu.memory_space<hbm>>
      tpu.enqueue_dma source(%dma_start3A_22 : memref<200xi32, #tpu.memory_space<hbm>>) target(%arg6 : memref<200xi32, #tpu.memory_space<vmem>>) target_semaphore(%dma_start3A_19 : memref<!tpu.dma_semaphore, #tpu.memory_space<semaphore_mem>>)
      %add3A_23 = arith.addi %multiple_of3A, %add3A_11 : i32
      %add3A_24 = arith.constant 1 : i32
      %add3A_25 = arith.addi %add3A_23, %add3A_24 : i32
      %dma_start3A_26 = arith.constant 1 : i32
      %dma_start3A_27 = arith.constant 0 : i32
      %dma_start3A_28 = tpu.memref_slice %arg2[%add3A_25, %dma_start3A_27] : memref<4096x200xi32, #tpu.memory_space<hbm>> -> memref<1x200xi32, #tpu.memory_space<hbm>>
      %dma_start3A_29 = tpu.memref_squeeze %dma_start3A_28 : memref<1x200xi32, #tpu.memory_space<hbm>> -> memref<200xi32, #tpu.memory_space<hbm>>
      %dma_start3A_30 = tpu.memref_slice %arg13[%dma_start3A_26] : memref<2x!tpu.dma_semaphore, #tpu.memory_space<semaphore_mem>> -> memref<1x!tpu.dma_semaphore, #tpu.memory_space<semaphore_mem>>
      %dma_start3A_31 = tpu.memref_squeeze %dma_start3A_30 : memref<1x!tpu.dma_semaphore, #tpu.memory_space<semaphore_mem>> -> memref<!tpu.dma_semaphore, #tpu.memory_space<semaphore_mem>>
      %dma_start3A_32 = arith.constant 0 : i32
      %dma_start3A_33 = tpu.memref_slice %arg2[%add3A_25, %dma_start3A_32] : memref<4096x200xi32, #tpu.memory_space<hbm>> -> memref<1x200xi32, #tpu.memory_space<hbm>>
      %dma_start3A_34 = tpu.memref_squeeze %dma_start3A_33 : memref<1x200xi32, #tpu.memory_space<hbm>> -> memref<200xi32, #tpu.memory_space<hbm>>
      tpu.enqueue_dma source(%dma_start3A_34 : memref<200xi32, #tpu.memory_space<hbm>>) target(%arg9 : memref<200xi32, #tpu.memory_space<vmem>>) target_semaphore(%dma_start3A_31 : memref<!tpu.dma_semaphore, #tpu.memory_space<semaphore_mem>>)
      %add3A_35 = arith.addi %multiple_of3A, %add3A_11 : i32
      %add3A_36 = arith.constant 0 : i32
      %add3A_37 = arith.addi %add3A_35, %add3A_36 : i32
      %dma_wait3A = arith.constant 0 : i32
      %dma_wait3A_38 = arith.constant 0 : i32
      %dma_wait3A_39 = tpu.memref_slice %arg2[%add3A_37, %dma_wait3A_38] : memref<4096x200xi32, #tpu.memory_space<hbm>> -> memref<1x200xi32, #tpu.memory_space<hbm>>
      %dma_wait3A_40 = tpu.memref_squeeze %dma_wait3A_39 : memref<1x200xi32, #tpu.memory_space<hbm>> -> memref<200xi32, #tpu.memory_space<hbm>>
      %dma_wait3A_41 = tpu.memref_slice %arg13[%dma_wait3A] : memref<2x!tpu.dma_semaphore, #tpu.memory_space<semaphore_mem>> -> memref<1x!tpu.dma_semaphore, #tpu.memory_space<semaphore_mem>>
      %dma_wait3A_42 = tpu.memref_squeeze %dma_wait3A_41 : memref<1x!tpu.dma_semaphore, #tpu.memory_space<semaphore_mem>> -> memref<!tpu.dma_semaphore, #tpu.memory_space<semaphore_mem>>
      %dma_wait3A_43 = arith.constant 0 : i32
      %dma_wait3A_44 = tpu.memref_slice %arg2[%add3A_37, %dma_wait3A_43] : memref<4096x200xi32, #tpu.memory_space<hbm>> -> memref<1x200xi32, #tpu.memory_space<hbm>>
      %dma_wait3A_45 = tpu.memref_squeeze %dma_wait3A_44 : memref<1x200xi32, #tpu.memory_space<hbm>> -> memref<200xi32, #tpu.memory_space<hbm>>
      tpu.wait_dma2 semaphore(%dma_wait3A_42 : memref<!tpu.dma_semaphore, #tpu.memory_space<semaphore_mem>>) src(%dma_wait3A_45 : memref<200xi32, #tpu.memory_space<hbm>>) dst(%arg6 : memref<200xi32, #tpu.memory_space<vmem>>)
      %dma_start3A_46 = arith.constant 0 : i32
      %dma_start3A_47 = arith.constant 0 : i32
      %dma_start3A_48 = arith.constant 0 : i32
      %dma_start3A_49 = tpu.memref_slice %arg3[%dma_start3A_47, %dma_start3A_48] : memref<1000000x128xf32, #tpu.memory_space<hbm>> -> memref<1000000x128xf32, #tpu.memory_space<hbm>>
      %dma_start3A_50 = tpu.memref_slice %arg14[%dma_start3A_46] : memref<2x!tpu.dma_semaphore, #tpu.memory_space<semaphore_mem>> -> memref<1x!tpu.dma_semaphore, #tpu.memory_space<semaphore_mem>>
      %dma_start3A_51 = tpu.memref_squeeze %dma_start3A_50 : memref<1x!tpu.dma_semaphore, #tpu.memory_space<semaphore_mem>> -> memref<!tpu.dma_semaphore, #tpu.memory_space<semaphore_mem>>
      tpu.enqueue_indirect_dma source(%dma_start3A_49 : memref<1000000x128xf32, #tpu.memory_space<hbm>>) target(%arg7 : memref<200x128xf32, #tpu.memory_space<vmem>>) offsets(%arg6 : memref<200xi32, #tpu.memory_space<vmem>>) semaphore(%dma_start3A_51 : memref<!tpu.dma_semaphore, #tpu.memory_space<semaphore_mem>>)
      %add3A_52 = arith.addi %multiple_of3A, %add3A_11 : i32
      %add3A_53 = arith.constant 1 : i32
      %add3A_54 = arith.addi %add3A_52, %add3A_53 : i32
      %dma_wait3A_55 = arith.constant 1 : i32
      %dma_wait3A_56 = arith.constant 0 : i32
      %dma_wait3A_57 = tpu.memref_slice %arg2[%add3A_54, %dma_wait3A_56] : memref<4096x200xi32, #tpu.memory_space<hbm>> -> memref<1x200xi32, #tpu.memory_space<hbm>>
      %dma_wait3A_58 = tpu.memref_squeeze %dma_wait3A_57 : memref<1x200xi32, #tpu.memory_space<hbm>> -> memref<200xi32, #tpu.memory_space<hbm>>
      %dma_wait3A_59 = tpu.memref_slice %arg13[%dma_wait3A_55] : memref<2x!tpu.dma_semaphore, #tpu.memory_space<semaphore_mem>> -> memref<1x!tpu.dma_semaphore, #tpu.memory_space<semaphore_mem>>
      %dma_wait3A_60 = tpu.memref_squeeze %dma_wait3A_59 : memref<1x!tpu.dma_semaphore, #tpu.memory_space<semaphore_mem>> -> memref<!tpu.dma_semaphore, #tpu.memory_space<semaphore_mem>>
      %dma_wait3A_61 = arith.constant 0 : i32
      %dma_wait3A_62 = tpu.memref_slice %arg2[%add3A_54, %dma_wait3A_61] : memref<4096x200xi32, #tpu.memory_space<hbm>> -> memref<1x200xi32, #tpu.memory_space<hbm>>
      %dma_wait3A_63 = tpu.memref_squeeze %dma_wait3A_62 : memref<1x200xi32, #tpu.memory_space<hbm>> -> memref<200xi32, #tpu.memory_space<hbm>>
      tpu.wait_dma2 semaphore(%dma_wait3A_60 : memref<!tpu.dma_semaphore, #tpu.memory_space<semaphore_mem>>) src(%dma_wait3A_63 : memref<200xi32, #tpu.memory_space<hbm>>) dst(%arg9 : memref<200xi32, #tpu.memory_space<vmem>>)
      %dma_start3A_64 = arith.constant 1 : i32
      %dma_start3A_65 = arith.constant 0 : i32
      %dma_start3A_66 = arith.constant 0 : i32
      %dma_start3A_67 = tpu.memref_slice %arg3[%dma_start3A_65, %dma_start3A_66] : memref<1000000x128xf32, #tpu.memory_space<hbm>> -> memref<1000000x128xf32, #tpu.memory_space<hbm>>
      %dma_start3A_68 = tpu.memref_slice %arg14[%dma_start3A_64] : memref<2x!tpu.dma_semaphore, #tpu.memory_space<semaphore_mem>> -> memref<1x!tpu.dma_semaphore, #tpu.memory_space<semaphore_mem>>
      %dma_start3A_69 = tpu.memref_squeeze %dma_start3A_68 : memref<1x!tpu.dma_semaphore, #tpu.memory_space<semaphore_mem>> -> memref<!tpu.dma_semaphore, #tpu.memory_space<semaphore_mem>>
      tpu.enqueue_indirect_dma source(%dma_start3A_67 : memref<1000000x128xf32, #tpu.memory_space<hbm>>) target(%arg10 : memref<200x128xf32, #tpu.memory_space<vmem>>) offsets(%arg9 : memref<200xi32, #tpu.memory_space<vmem>>) semaphore(%dma_start3A_69 : memref<!tpu.dma_semaphore, #tpu.memory_space<semaphore_mem>>)
      %dma_wait3A_70 = arith.constant 0 : i32
      %dma_wait3A_71 = arith.constant 0 : i32
      %dma_wait3A_72 = arith.constant 0 : i32
      %dma_wait3A_73 = tpu.memref_slice %arg3[%dma_wait3A_71, %dma_wait3A_72] : memref<1000000x128xf32, #tpu.memory_space<hbm>> -> memref<1000000x128xf32, #tpu.memory_space<hbm>>
      %dma_wait3A_74 = tpu.memref_slice %arg14[%dma_wait3A_70] : memref<2x!tpu.dma_semaphore, #tpu.memory_space<semaphore_mem>> -> memref<1x!tpu.dma_semaphore, #tpu.memory_space<semaphore_mem>>
      %dma_wait3A_75 = tpu.memref_squeeze %dma_wait3A_74 : memref<1x!tpu.dma_semaphore, #tpu.memory_space<semaphore_mem>> -> memref<!tpu.dma_semaphore, #tpu.memory_space<semaphore_mem>>
      tpu.wait_indirect_dma semaphore(%dma_wait3A_75 : memref<!tpu.dma_semaphore, #tpu.memory_space<semaphore_mem>>) src(%dma_wait3A_73 : memref<1000000x128xf32, #tpu.memory_space<hbm>>) dst(%arg7 : memref<200x128xf32, #tpu.memory_space<vmem>>)
      %scan3A_76 = arith.constant 0 : i32
      %scan3A_77 = arith.constant 0 : i32
      %scan3A_78 = arith.constant 200 : i32
      %scan3A_79 = arith.addi %scan3A_77, %scan3A_78 : i32
      %scan3A_80 = arith.constant 8 : i32
      scf.for %scan3A_142 = %scan3A_77 to %scan3A_79 step %scan3A_80  : i32 {
        %get3A = arith.index_cast %scan3A_142 : i32 to index
        %get3A_143 = arith.constant 0 : index
        %get3A_144 = tpu.vector_load %arg7[%get3A, %get3A_143] {strides = array<i32>} : memref<200x128xf32, #tpu.memory_space<vmem>>, vector<16xf32>,
        %get3A_145 = arith.index_cast %scan3A_142 : i32 to index
        %get3A_146 = arith.constant 0 : index
        %get3A_147 = tpu.vector_load %arg12[%get3A_145, %get3A_146] {strides = array<i32>} : memref<200x64xf32, #tpu.memory_space<vmem>>, vector<16xf32>,
        %add3A_148 = arith.addf %get3A_144, %get3A_147 : vector<16xf32>
        %mul3A_149 = arith.constant 64 : i32
        %mul3A_150 = arith.muli %scan3A_142, %mul3A_149 : i32
        %add3A_151 = arith.constant 0 : i32
        %add3A_152 = arith.addi %mul3A_150, %add3A_151 : i32
        %swap3A = arith.index_cast %add3A_152 : i32 to index
        %swap3A_153 = tpu.vector_load %arg8[%swap3A] {strides = array<i32>} : memref<12800xf32, #tpu.memory_space<vmem>>, vector<16xf32>,
        tpu.vector_store %arg8[%swap3A], %add3A_148 {strides = array<i32>} : memref<12800xf32, #tpu.memory_space<vmem>>, vector<16xf32>,
        %get3A_154 = arith.index_cast %scan3A_142 : i32 to index
        %get3A_155 = arith.constant 16 : index
        %get3A_156 = tpu.vector_load %arg7[%get3A_154, %get3A_155] {strides = array<i32>} : memref<200x128xf32, #tpu.memory_space<vmem>>, vector<16xf32>,
        %get3A_157 = arith.index_cast %scan3A_142 : i32 to index
        %get3A_158 = arith.constant 16 : index
        %get3A_159 = tpu.vector_load %arg12[%get3A_157, %get3A_158] {strides = array<i32>} : memref<200x64xf32, #tpu.memory_space<vmem>>, vector<16xf32>,
        %add3A_160 = arith.addf %get3A_156, %get3A_159 : vector<16xf32>
        %mul3A_161 = arith.constant 64 : i32
        %mul3A_162 = arith.muli %scan3A_142, %mul3A_161 : i32
        %add3A_163 = arith.constant 16 : i32
        %add3A_164 = arith.addi %mul3A_162, %add3A_163 : i32
        %swap3A_165 = arith.index_cast %add3A_164 : i32 to index
        %swap3A_166 = tpu.vector_load %arg8[%swap3A_165] {strides = array<i32>} : memref<12800xf32, #tpu.memory_space<vmem>>, vector<16xf32>,
        tpu.vector_store %arg8[%swap3A_165], %add3A_160 {strides = array<i32>} : memref<12800xf32, #tpu.memory_space<vmem>>, vector<16xf32>,
        %get3A_167 = arith.index_cast %scan3A_142 : i32 to index
        %get3A_168 = arith.constant 32 : index
        %get3A_169 = tpu.vector_load %arg7[%get3A_167, %get3A_168] {strides = array<i32>} : memref<200x128xf32, #tpu.memory_space<vmem>>, vector<16xf32>,
        %get3A_170 = arith.index_cast %scan3A_142 : i32 to index
        %get3A_171 = arith.constant 32 : index
        %get3A_172 = tpu.vector_load %arg12[%get3A_170, %get3A_171] {strides = array<i32>} : memref<200x64xf32, #tpu.memory_space<vmem>>, vector<16xf32>,
        %add3A_173 = arith.addf %get3A_169, %get3A_172 : vector<16xf32>
        %mul3A_174 = arith.constant 64 : i32
        %mul3A_175 = arith.muli %scan3A_142, %mul3A_174 : i32
        %add3A_176 = arith.constant 32 : i32
        %add3A_177 = arith.addi %mul3A_175, %add3A_176 : i32
        %swap3A_178 = arith.index_cast %add3A_177 : i32 to index
        %swap3A_179 = tpu.vector_load %arg8[%swap3A_178] {strides = array<i32>} : memref<12800xf32, #tpu.memory_space<vmem>>, vector<16xf32>,
        tpu.vector_store %arg8[%swap3A_178], %add3A_173 {strides = array<i32>} : memref<12800xf32, #tpu.memory_space<vmem>>, vector<16xf32>,
        %get3A_180 = arith.index_cast %scan3A_142 : i32 to index
        %get3A_181 = arith.constant 48 : index
        %get3A_182 = tpu.vector_load %arg7[%get3A_180, %get3A_181] {strides = array<i32>} : memref<200x128xf32, #tpu.memory_space<vmem>>, vector<16xf32>,
        %get3A_183 = arith.index_cast %scan3A_142 : i32 to index
        %get3A_184 = arith.constant 48 : index
        %get3A_185 = tpu.vector_load %arg12[%get3A_183, %get3A_184] {strides = array<i32>} : memref<200x64xf32, #tpu.memory_space<vmem>>, vector<16xf32>,
        %add3A_186 = arith.addf %get3A_182, %get3A_185 : vector<16xf32>
        %mul3A_187 = arith.constant 64 : i32
        %mul3A_188 = arith.muli %scan3A_142, %mul3A_187 : i32
        %add3A_189 = arith.constant 48 : i32
        %add3A_190 = arith.addi %mul3A_188, %add3A_189 : i32
        %swap3A_191 = arith.index_cast %add3A_190 : i32 to index
        %swap3A_192 = tpu.vector_load %arg8[%swap3A_191] {strides = array<i32>} : memref<12800xf32, #tpu.memory_space<vmem>>, vector<16xf32>,
        tpu.vector_store %arg8[%swap3A_191], %add3A_186 {strides = array<i32>} : memref<12800xf32, #tpu.memory_space<vmem>>, vector<16xf32>,
        %scan3A_193 = arith.constant 1 : i32
        %scan3A_194 = arith.addi %scan3A_142, %scan3A_193 : i32
        %get3A_195 = arith.index_cast %scan3A_194 : i32 to index
        %get3A_196 = arith.constant 0 : index
        %get3A_197 = tpu.vector_load %arg7[%get3A_195, %get3A_196] {strides = array<i32>} : memref<200x128xf32, #tpu.memory_space<vmem>>, vector<16xf32>,
        %get3A_198 = arith.index_cast %scan3A_194 : i32 to index
        %get3A_199 = arith.constant 0 : index
        %get3A_200 = tpu.vector_load %arg12[%get3A_198, %get3A_199] {strides = array<i32>} : memref<200x64xf32, #tpu.memory_space<vmem>>, vector<16xf32>,
        %add3A_201 = arith.addf %get3A_197, %get3A_200 : vector<16xf32>
        %mul3A_202 = arith.constant 64 : i32
        %mul3A_203 = arith.muli %scan3A_194, %mul3A_202 : i32
        %add3A_204 = arith.constant 0 : i32
        %add3A_205 = arith.addi %mul3A_203, %add3A_204 : i32
        %swap3A_206 = arith.index_cast %add3A_205 : i32 to index
        %swap3A_207 = tpu.vector_load %arg8[%swap3A_206] {strides = array<i32>} : memref<12800xf32, #tpu.memory_space<vmem>>, vector<16xf32>,
        tpu.vector_store %arg8[%swap3A_206], %add3A_201 {strides = array<i32>} : memref<12800xf32, #tpu.memory_space<vmem>>, vector<16xf32>,
        %get3A_208 = arith.index_cast %scan3A_194 : i32 to index
        %get3A_209 = arith.constant 16 : index
        %get3A_210 = tpu.vector_load %arg7[%get3A_208, %get3A_209] {strides = array<i32>} : memref<200x128xf32, #tpu.memory_space<vmem>>, vector<16xf32>,
        %get3A_211 = arith.index_cast %scan3A_194 : i32 to index
        %get3A_212 = arith.constant 16 : index
        %get3A_213 = tpu.vector_load %arg12[%get3A_211, %get3A_212] {strides = array<i32>} : memref<200x64xf32, #tpu.memory_space<vmem>>, vector<16xf32>,
        %add3A_214 = arith.addf %get3A_210, %get3A_213 : vector<16xf32>
        %mul3A_215 = arith.constant 64 : i32
        %mul3A_216 = arith.muli %scan3A_194, %mul3A_215 : i32
        %add3A_217 = arith.constant 16 : i32
        %add3A_218 = arith.addi %mul3A_216, %add3A_217 : i32
        %swap3A_219 = arith.index_cast %add3A_218 : i32 to index
        %swap3A_220 = tpu.vector_load %arg8[%swap3A_219] {strides = array<i32>} : memref<12800xf32, #tpu.memory_space<vmem>>, vector<16xf32>,
        tpu.vector_store %arg8[%swap3A_219], %add3A_214 {strides = array<i32>} : memref<12800xf32, #tpu.memory_space<vmem>>, vector<16xf32>,
        %get3A_221 = arith.index_cast %scan3A_194 : i32 to index
        %get3A_222 = arith.constant 32 : index
        %get3A_223 = tpu.vector_load %arg7[%get3A_221, %get3A_222] {strides = array<i32>} : memref<200x128xf32, #tpu.memory_space<vmem>>, vector<16xf32>,
        %get3A_224 = arith.index_cast %scan3A_194 : i32 to index
        %get3A_225 = arith.constant 32 : index
        %get3A_226 = tpu.vector_load %arg12[%get3A_224, %get3A_225] {strides = array<i32>} : memref<200x64xf32, #tpu.memory_space<vmem>>, vector<16xf32>,
        %add3A_227 = arith.addf %get3A_223, %get3A_226 : vector<16xf32>
        %mul3A_228 = arith.constant 64 : i32
        %mul3A_229 = arith.muli %scan3A_194, %mul3A_228 : i32
        %add3A_230 = arith.constant 32 : i32
        %add3A_231 = arith.addi %mul3A_229, %add3A_230 : i32
        %swap3A_232 = arith.index_cast %add3A_231 : i32 to index
        %swap3A_233 = tpu.vector_load %arg8[%swap3A_232] {strides = array<i32>} : memref<12800xf32, #tpu.memory_space<vmem>>, vector<16xf32>,
        tpu.vector_store %arg8[%swap3A_232], %add3A_227 {strides = array<i32>} : memref<12800xf32, #tpu.memory_space<vmem>>, vector<16xf32>,
        %get3A_234 = arith.index_cast %scan3A_194 : i32 to index
        %get3A_235 = arith.constant 48 : index
        %get3A_236 = tpu.vector_load %arg7[%get3A_234, %get3A_235] {strides = array<i32>} : memref<200x128xf32, #tpu.memory_space<vmem>>, vector<16xf32>,
        %get3A_237 = arith.index_cast %scan3A_194 : i32 to index
        %get3A_238 = arith.constant 48 : index
        %get3A_239 = tpu.vector_load %arg12[%get3A_237, %get3A_238] {strides = array<i32>} : memref<200x64xf32, #tpu.memory_space<vmem>>, vector<16xf32>,
        %add3A_240 = arith.addf %get3A_236, %get3A_239 : vector<16xf32>
        %mul3A_241 = arith.constant 64 : i32
        %mul3A_242 = arith.muli %scan3A_194, %mul3A_241 : i32
        %add3A_243 = arith.constant 48 : i32
        %add3A_244 = arith.addi %mul3A_242, %add3A_243 : i32
        %swap3A_245 = arith.index_cast %add3A_244 : i32 to index
        %swap3A_246 = tpu.vector_load %arg8[%swap3A_245] {strides = array<i32>} : memref<12800xf32, #tpu.memory_space<vmem>>, vector<16xf32>,
        tpu.vector_store %arg8[%swap3A_245], %add3A_240 {strides = array<i32>} : memref<12800xf32, #tpu.memory_space<vmem>>, vector<16xf32>,
        %scan3A_247 = arith.constant 2 : i32
        %scan3A_248 = arith.addi %scan3A_142, %scan3A_247 : i32
        %get3A_249 = arith.index_cast %scan3A_248 : i32 to index
        %get3A_250 = arith.constant 0 : index
        %get3A_251 = tpu.vector_load %arg7[%get3A_249, %get3A_250] {strides = array<i32>} : memref<200x128xf32, #tpu.memory_space<vmem>>, vector<16xf32>,
        %get3A_252 = arith.index_cast %scan3A_248 : i32 to index
        %get3A_253 = arith.constant 0 : index
        %get3A_254 = tpu.vector_load %arg12[%get3A_252, %get3A_253] {strides = array<i32>} : memref<200x64xf32, #tpu.memory_space<vmem>>, vector<16xf32>,
        %add3A_255 = arith.addf %get3A_251, %get3A_254 : vector<16xf32>
        %mul3A_256 = arith.constant 64 : i32
        %mul3A_257 = arith.muli %scan3A_248, %mul3A_256 : i32
        %add3A_258 = arith.constant 0 : i32
        %add3A_259 = arith.addi %mul3A_257, %add3A_258 : i32
        %swap3A_260 = arith.index_cast %add3A_259 : i32 to index
        %swap3A_261 = tpu.vector_load %arg8[%swap3A_260] {strides = array<i32>} : memref<12800xf32, #tpu.memory_space<vmem>>, vector<16xf32>,
        tpu.vector_store %arg8[%swap3A_260], %add3A_255 {strides = array<i32>} : memref<12800xf32, #tpu.memory_space<vmem>>, vector<16xf32>,
        %get3A_262 = arith.index_cast %scan3A_248 : i32 to index
        %get3A_263 = arith.constant 16 : index
        %get3A_264 = tpu.vector_load %arg7[%get3A_262, %get3A_263] {strides = array<i32>} : memref<200x128xf32, #tpu.memory_space<vmem>>, vector<16xf32>,
        %get3A_265 = arith.index_cast %scan3A_248 : i32 to index
        %get3A_266 = arith.constant 16 : index
        %get3A_267 = tpu.vector_load %arg12[%get3A_265, %get3A_266] {strides = array<i32>} : memref<200x64xf32, #tpu.memory_space<vmem>>, vector<16xf32>,
        %add3A_268 = arith.addf %get3A_264, %get3A_267 : vector<16xf32>
        %mul3A_269 = arith.constant 64 : i32
        %mul3A_270 = arith.muli %scan3A_248, %mul3A_269 : i32
        %add3A_271 = arith.constant 16 : i32
        %add3A_272 = arith.addi %mul3A_270, %add3A_271 : i32
        %swap3A_273 = arith.index_cast %add3A_272 : i32 to index
        %swap3A_274 = tpu.vector_load %arg8[%swap3A_273] {strides = array<i32>} : memref<12800xf32, #tpu.memory_space<vmem>>, vector<16xf32>,
        tpu.vector_store %arg8[%swap3A_273], %add3A_268 {strides = array<i32>} : memref<12800xf32, #tpu.memory_space<vmem>>, vector<16xf32>,
        %get3A_275 = arith.index_cast %scan3A_248 : i32 to index
        %get3A_276 = arith.constant 32 : index
        %get3A_277 = tpu.vector_load %arg7[%get3A_275, %get3A_276] {strides = array<i32>} : memref<200x128xf32, #tpu.memory_space<vmem>>, vector<16xf32>,
        %get3A_278 = arith.index_cast %scan3A_248 : i32 to index
        %get3A_279 = arith.constant 32 : index
        %get3A_280 = tpu.vector_load %arg12[%get3A_278, %get3A_279] {strides = array<i32>} : memref<200x64xf32, #tpu.memory_space<vmem>>, vector<16xf32>,
        %add3A_281 = arith.addf %get3A_277, %get3A_280 : vector<16xf32>
        %mul3A_282 = arith.constant 64 : i32
        %mul3A_283 = arith.muli %scan3A_248, %mul3A_282 : i32
        %add3A_284 = arith.constant 32 : i32
        %add3A_285 = arith.addi %mul3A_283, %add3A_284 : i32
        %swap3A_286 = arith.index_cast %add3A_285 : i32 to index
        %swap3A_287 = tpu.vector_load %arg8[%swap3A_286] {strides = array<i32>} : memref<12800xf32, #tpu.memory_space<vmem>>, vector<16xf32>,
        tpu.vector_store %arg8[%swap3A_286], %add3A_281 {strides = array<i32>} : memref<12800xf32, #tpu.memory_space<vmem>>, vector<16xf32>,
        %get3A_288 = arith.index_cast %scan3A_248 : i32 to index
        %get3A_289 = arith.constant 48 : index
        %get3A_290 = tpu.vector_load %arg7[%get3A_288, %get3A_289] {strides = array<i32>} : memref<200x128xf32, #tpu.memory_space<vmem>>, vector<16xf32>,
        %get3A_291 = arith.index_cast %scan3A_248 : i32 to index
        %get3A_292 = arith.constant 48 : index
        %get3A_293 = tpu.vector_load %arg12[%get3A_291, %get3A_292] {strides = array<i32>} : memref<200x64xf32, #tpu.memory_space<vmem>>, vector<16xf32>,
        %add3A_294 = arith.addf %get3A_290, %get3A_293 : vector<16xf32>
        %mul3A_295 = arith.constant 64 : i32
        %mul3A_296 = arith.muli %scan3A_248, %mul3A_295 : i32
        %add3A_297 = arith.constant 48 : i32
        %add3A_298 = arith.addi %mul3A_296, %add3A_297 : i32
        %swap3A_299 = arith.index_cast %add3A_298 : i32 to index
        %swap3A_300 = tpu.vector_load %arg8[%swap3A_299] {strides = array<i32>} : memref<12800xf32, #tpu.memory_space<vmem>>, vector<16xf32>,
        tpu.vector_store %arg8[%swap3A_299], %add3A_294 {strides = array<i32>} : memref<12800xf32, #tpu.memory_space<vmem>>, vector<16xf32>,
        %scan3A_301 = arith.constant 3 : i32
        %scan3A_302 = arith.addi %scan3A_142, %scan3A_301 : i32
        %get3A_303 = arith.index_cast %scan3A_302 : i32 to index
        %get3A_304 = arith.constant 0 : index
        %get3A_305 = tpu.vector_load %arg7[%get3A_303, %get3A_304] {strides = array<i32>} : memref<200x128xf32, #tpu.memory_space<vmem>>, vector<16xf32>,
        %get3A_306 = arith.index_cast %scan3A_302 : i32 to index
        %get3A_307 = arith.constant 0 : index
        %get3A_308 = tpu.vector_load %arg12[%get3A_306, %get3A_307] {strides = array<i32>} : memref<200x64xf32, #tpu.memory_space<vmem>>, vector<16xf32>,
        %add3A_309 = arith.addf %get3A_305, %get3A_308 : vector<16xf32>
        %mul3A_310 = arith.constant 64 : i32
        %mul3A_311 = arith.muli %scan3A_302, %mul3A_310 : i32
        %add3A_312 = arith.constant 0 : i32
        %add3A_313 = arith.addi %mul3A_311, %add3A_312 : i32
        %swap3A_314 = arith.index_cast %add3A_313 : i32 to index
        %swap3A_315 = tpu.vector_load %arg8[%swap3A_314] {strides = array<i32>} : memref<12800xf32, #tpu.memory_space<vmem>>, vector<16xf32>,
        tpu.vector_store %arg8[%swap3A_314], %add3A_309 {strides = array<i32>} : memref<12800xf32, #tpu.memory_space<vmem>>, vector<16xf32>,
        %get3A_316 = arith.index_cast %scan3A_302 : i32 to index
        %get3A_317 = arith.constant 16 : index
        %get3A_318 = tpu.vector_load %arg7[%get3A_316, %get3A_317] {strides = array<i32>} : memref<200x128xf32, #tpu.memory_space<vmem>>, vector<16xf32>,
        %get3A_319 = arith.index_cast %scan3A_302 : i32 to index
        %get3A_320 = arith.constant 16 : index
        %get3A_321 = tpu.vector_load %arg12[%get3A_319, %get3A_320] {strides = array<i32>} : memref<200x64xf32, #tpu.memory_space<vmem>>, vector<16xf32>,
        %add3A_322 = arith.addf %get3A_318, %get3A_321 : vector<16xf32>
        %mul3A_323 = arith.constant 64 : i32
        %mul3A_324 = arith.muli %scan3A_302, %mul3A_323 : i32
        %add3A_325 = arith.constant 16 : i32
        %add3A_326 = arith.addi %mul3A_324, %add3A_325 : i32
        %swap3A_327 = arith.index_cast %add3A_326 : i32 to index
        %swap3A_328 = tpu.vector_load %arg8[%swap3A_327] {strides = array<i32>} : memref<12800xf32, #tpu.memory_space<vmem>>, vector<16xf32>,
        tpu.vector_store %arg8[%swap3A_327], %add3A_322 {strides = array<i32>} : memref<12800xf32, #tpu.memory_space<vmem>>, vector<16xf32>,
        %get3A_329 = arith.index_cast %scan3A_302 : i32 to index
        %get3A_330 = arith.constant 32 : index
        %get3A_331 = tpu.vector_load %arg7[%get3A_329, %get3A_330] {strides = array<i32>} : memref<200x128xf32, #tpu.memory_space<vmem>>, vector<16xf32>,
        %get3A_332 = arith.index_cast %scan3A_302 : i32 to index
        %get3A_333 = arith.constant 32 : index
        %get3A_334 = tpu.vector_load %arg12[%get3A_332, %get3A_333] {strides = array<i32>} : memref<200x64xf32, #tpu.memory_space<vmem>>, vector<16xf32>,
        %add3A_335 = arith.addf %get3A_331, %get3A_334 : vector<16xf32>
        %mul3A_336 = arith.constant 64 : i32
        %mul3A_337 = arith.muli %scan3A_302, %mul3A_336 : i32
        %add3A_338 = arith.constant 32 : i32
        %add3A_339 = arith.addi %mul3A_337, %add3A_338 : i32
        %swap3A_340 = arith.index_cast %add3A_339 : i32 to index
        %swap3A_341 = tpu.vector_load %arg8[%swap3A_340] {strides = array<i32>} : memref<12800xf32, #tpu.memory_space<vmem>>, vector<16xf32>,
        tpu.vector_store %arg8[%swap3A_340], %add3A_335 {strides = array<i32>} : memref<12800xf32, #tpu.memory_space<vmem>>, vector<16xf32>,
        %get3A_342 = arith.index_cast %scan3A_302 : i32 to index
        %get3A_343 = arith.constant 48 : index
        %get3A_344 = tpu.vector_load %arg7[%get3A_342, %get3A_343] {strides = array<i32>} : memref<200x128xf32, #tpu.memory_space<vmem>>, vector<16xf32>,
        %get3A_345 = arith.index_cast %scan3A_302 : i32 to index
        %get3A_346 = arith.constant 48 : index
        %get3A_347 = tpu.vector_load %arg12[%get3A_345, %get3A_346] {strides = array<i32>} : memref<200x64xf32, #tpu.memory_space<vmem>>, vector<16xf32>,
        %add3A_348 = arith.addf %get3A_344, %get3A_347 : vector<16xf32>
        %mul3A_349 = arith.constant 64 : i32
        %mul3A_350 = arith.muli %scan3A_302, %mul3A_349 : i32
        %add3A_351 = arith.constant 48 : i32
        %add3A_352 = arith.addi %mul3A_350, %add3A_351 : i32
        %swap3A_353 = arith.index_cast %add3A_352 : i32 to index
        %swap3A_354 = tpu.vector_load %arg8[%swap3A_353] {strides = array<i32>} : memref<12800xf32, #tpu.memory_space<vmem>>, vector<16xf32>,
        tpu.vector_store %arg8[%swap3A_353], %add3A_348 {strides = array<i32>} : memref<12800xf32, #tpu.memory_space<vmem>>, vector<16xf32>,
        %scan3A_355 = arith.constant 4 : i32
        %scan3A_356 = arith.addi %scan3A_142, %scan3A_355 : i32
        %get3A_357 = arith.index_cast %scan3A_356 : i32 to index
        %get3A_358 = arith.constant 0 : index
        %get3A_359 = tpu.vector_load %arg7[%get3A_357, %get3A_358] {strides = array<i32>} : memref<200x128xf32, #tpu.memory_space<vmem>>, vector<16xf32>,
        %get3A_360 = arith.index_cast %scan3A_356 : i32 to index
        %get3A_361 = arith.constant 0 : index
        %get3A_362 = tpu.vector_load %arg12[%get3A_360, %get3A_361] {strides = array<i32>} : memref<200x64xf32, #tpu.memory_space<vmem>>, vector<16xf32>,
        %add3A_363 = arith.addf %get3A_359, %get3A_362 : vector<16xf32>
        %mul3A_364 = arith.constant 64 : i32
        %mul3A_365 = arith.muli %scan3A_356, %mul3A_364 : i32
        %add3A_366 = arith.constant 0 : i32
        %add3A_367 = arith.addi %mul3A_365, %add3A_366 : i32
        %swap3A_368 = arith.index_cast %add3A_367 : i32 to index
        %swap3A_369 = tpu.vector_load %arg8[%swap3A_368] {strides = array<i32>} : memref<12800xf32, #tpu.memory_space<vmem>>, vector<16xf32>,
        tpu.vector_store %arg8[%swap3A_368], %add3A_363 {strides = array<i32>} : memref<12800xf32, #tpu.memory_space<vmem>>, vector<16xf32>,
        %get3A_370 = arith.index_cast %scan3A_356 : i32 to index
        %get3A_371 = arith.constant 16 : index
        %get3A_372 = tpu.vector_load %arg7[%get3A_370, %get3A_371] {strides = array<i32>} : memref<200x128xf32, #tpu.memory_space<vmem>>, vector<16xf32>,
        %get3A_373 = arith.index_cast %scan3A_356 : i32 to index
        %get3A_374 = arith.constant 16 : index
        %get3A_375 = tpu.vector_load %arg12[%get3A_373, %get3A_374] {strides = array<i32>} : memref<200x64xf32, #tpu.memory_space<vmem>>, vector<16xf32>,
        %add3A_376 = arith.addf %get3A_372, %get3A_375 : vector<16xf32>
        %mul3A_377 = arith.constant 64 : i32
        %mul3A_378 = arith.muli %scan3A_356, %mul3A_377 : i32
        %add3A_379 = arith.constant 16 : i32
        %add3A_380 = arith.addi %mul3A_378, %add3A_379 : i32
        %swap3A_381 = arith.index_cast %add3A_380 : i32 to index
        %swap3A_382 = tpu.vector_load %arg8[%swap3A_381] {strides = array<i32>} : memref<12800xf32, #tpu.memory_space<vmem>>, vector<16xf32>,
        tpu.vector_store %arg8[%swap3A_381], %add3A_376 {strides = array<i32>} : memref<12800xf32, #tpu.memory_space<vmem>>, vector<16xf32>,
        %get3A_383 = arith.index_cast %scan3A_356 : i32 to index
        %get3A_384 = arith.constant 32 : index
        %get3A_385 = tpu.vector_load %arg7[%get3A_383, %get3A_384] {strides = array<i32>} : memref<200x128xf32, #tpu.memory_space<vmem>>, vector<16xf32>,
        %get3A_386 = arith.index_cast %scan3A_356 : i32 to index
        %get3A_387 = arith.constant 32 : index
        %get3A_388 = tpu.vector_load %arg12[%get3A_386, %get3A_387] {strides = array<i32>} : memref<200x64xf32, #tpu.memory_space<vmem>>, vector<16xf32>,
        %add3A_389 = arith.addf %get3A_385, %get3A_388 : vector<16xf32>
        %mul3A_390 = arith.constant 64 : i32
        %mul3A_391 = arith.muli %scan3A_356, %mul3A_390 : i32
        %add3A_392 = arith.constant 32 : i32
        %add3A_393 = arith.addi %mul3A_391, %add3A_392 : i32
        %swap3A_394 = arith.index_cast %add3A_393 : i32 to index
        %swap3A_395 = tpu.vector_load %arg8[%swap3A_394] {strides = array<i32>} : memref<12800xf32, #tpu.memory_space<vmem>>, vector<16xf32>,
        tpu.vector_store %arg8[%swap3A_394], %add3A_389 {strides = array<i32>} : memref<12800xf32, #tpu.memory_space<vmem>>, vector<16xf32>,
        %get3A_396 = arith.index_cast %scan3A_356 : i32 to index
        %get3A_397 = arith.constant 48 : index
        %get3A_398 = tpu.vector_load %arg7[%get3A_396, %get3A_397] {strides = array<i32>} : memref<200x128xf32, #tpu.memory_space<vmem>>, vector<16xf32>,
        %get3A_399 = arith.index_cast %scan3A_356 : i32 to index
        %get3A_400 = arith.constant 48 : index
        %get3A_401 = tpu.vector_load %arg12[%get3A_399, %get3A_400] {strides = array<i32>} : memref<200x64xf32, #tpu.memory_space<vmem>>, vector<16xf32>,
        %add3A_402 = arith.addf %get3A_398, %get3A_401 : vector<16xf32>
        %mul3A_403 = arith.constant 64 : i32
        %mul3A_404 = arith.muli %scan3A_356, %mul3A_403 : i32
        %add3A_405 = arith.constant 48 : i32
        %add3A_406 = arith.addi %mul3A_404, %add3A_405 : i32
        %swap3A_407 = arith.index_cast %add3A_406 : i32 to index
        %swap3A_408 = tpu.vector_load %arg8[%swap3A_407] {strides = array<i32>} : memref<12800xf32, #tpu.memory_space<vmem>>, vector<16xf32>,
        tpu.vector_store %arg8[%swap3A_407], %add3A_402 {strides = array<i32>} : memref<12800xf32, #tpu.memory_space<vmem>>, vector<16xf32>,
        %scan3A_409 = arith.constant 5 : i32
        %scan3A_410 = arith.addi %scan3A_142, %scan3A_409 : i32
        %get3A_411 = arith.index_cast %scan3A_410 : i32 to index
        %get3A_412 = arith.constant 0 : index
        %get3A_413 = tpu.vector_load %arg7[%get3A_411, %get3A_412] {strides = array<i32>} : memref<200x128xf32, #tpu.memory_space<vmem>>, vector<16xf32>,
        %get3A_414 = arith.index_cast %scan3A_410 : i32 to index
        %get3A_415 = arith.constant 0 : index
        %get3A_416 = tpu.vector_load %arg12[%get3A_414, %get3A_415] {strides = array<i32>} : memref<200x64xf32, #tpu.memory_space<vmem>>, vector<16xf32>,
        %add3A_417 = arith.addf %get3A_413, %get3A_416 : vector<16xf32>
        %mul3A_418 = arith.constant 64 : i32
        %mul3A_419 = arith.muli %scan3A_410, %mul3A_418 : i32
        %add3A_420 = arith.constant 0 : i32
        %add3A_421 = arith.addi %mul3A_419, %add3A_420 : i32
        %swap3A_422 = arith.index_cast %add3A_421 : i32 to index
        %swap3A_423 = tpu.vector_load %arg8[%swap3A_422] {strides = array<i32>} : memref<12800xf32, #tpu.memory_space<vmem>>, vector<16xf32>,
        tpu.vector_store %arg8[%swap3A_422], %add3A_417 {strides = array<i32>} : memref<12800xf32, #tpu.memory_space<vmem>>, vector<16xf32>,
        %get3A_424 = arith.index_cast %scan3A_410 : i32 to index
        %get3A_425 = arith.constant 16 : index
        %get3A_426 = tpu.vector_load %arg7[%get3A_424, %get3A_425] {strides = array<i32>} : memref<200x128xf32, #tpu.memory_space<vmem>>, vector<16xf32>,
        %get3A_427 = arith.index_cast %scan3A_410 : i32 to index
        %get3A_428 = arith.constant 16 : index
        %get3A_429 = tpu.vector_load %arg12[%get3A_427, %get3A_428] {strides = array<i32>} : memref<200x64xf32, #tpu.memory_space<vmem>>, vector<16xf32>,
        %add3A_430 = arith.addf %get3A_426, %get3A_429 : vector<16xf32>
        %mul3A_431 = arith.constant 64 : i32
        %mul3A_432 = arith.muli %scan3A_410, %mul3A_431 : i32
        %add3A_433 = arith.constant 16 : i32
        %add3A_434 = arith.addi %mul3A_432, %add3A_433 : i32
        %swap3A_435 = arith.index_cast %add3A_434 : i32 to index
        %swap3A_436 = tpu.vector_load %arg8[%swap3A_435] {strides = array<i32>} : memref<12800xf32, #tpu.memory_space<vmem>>, vector<16xf32>,
        tpu.vector_store %arg8[%swap3A_435], %add3A_430 {strides = array<i32>} : memref<12800xf32, #tpu.memory_space<vmem>>, vector<16xf32>,
        %get3A_437 = arith.index_cast %scan3A_410 : i32 to index
        %get3A_438 = arith.constant 32 : index
        %get3A_439 = tpu.vector_load %arg7[%get3A_437, %get3A_438] {strides = array<i32>} : memref<200x128xf32, #tpu.memory_space<vmem>>, vector<16xf32>,
        %get3A_440 = arith.index_cast %scan3A_410 : i32 to index
        %get3A_441 = arith.constant 32 : index
        %get3A_442 = tpu.vector_load %arg12[%get3A_440, %get3A_441] {strides = array<i32>} : memref<200x64xf32, #tpu.memory_space<vmem>>, vector<16xf32>,
        %add3A_443 = arith.addf %get3A_439, %get3A_442 : vector<16xf32>
        %mul3A_444 = arith.constant 64 : i32
        %mul3A_445 = arith.muli %scan3A_410, %mul3A_444 : i32
        %add3A_446 = arith.constant 32 : i32
        %add3A_447 = arith.addi %mul3A_445, %add3A_446 : i32
        %swap3A_448 = arith.index_cast %add3A_447 : i32 to index
        %swap3A_449 = tpu.vector_load %arg8[%swap3A_448] {strides = array<i32>} : memref<12800xf32, #tpu.memory_space<vmem>>, vector<16xf32>,
        tpu.vector_store %arg8[%swap3A_448], %add3A_443 {strides = array<i32>} : memref<12800xf32, #tpu.memory_space<vmem>>, vector<16xf32>,
        %get3A_450 = arith.index_cast %scan3A_410 : i32 to index
        %get3A_451 = arith.constant 48 : index
        %get3A_452 = tpu.vector_load %arg7[%get3A_450, %get3A_451] {strides = array<i32>} : memref<200x128xf32, #tpu.memory_space<vmem>>, vector<16xf32>,
        %get3A_453 = arith.index_cast %scan3A_410 : i32 to index
        %get3A_454 = arith.constant 48 : index
        %get3A_455 = tpu.vector_load %arg12[%get3A_453, %get3A_454] {strides = array<i32>} : memref<200x64xf32, #tpu.memory_space<vmem>>, vector<16xf32>,
        %add3A_456 = arith.addf %get3A_452, %get3A_455 : vector<16xf32>
        %mul3A_457 = arith.constant 64 : i32
        %mul3A_458 = arith.muli %scan3A_410, %mul3A_457 : i32
        %add3A_459 = arith.constant 48 : i32
        %add3A_460 = arith.addi %mul3A_458, %add3A_459 : i32
        %swap3A_461 = arith.index_cast %add3A_460 : i32 to index
        %swap3A_462 = tpu.vector_load %arg8[%swap3A_461] {strides = array<i32>} : memref<12800xf32, #tpu.memory_space<vmem>>, vector<16xf32>,
        tpu.vector_store %arg8[%swap3A_461], %add3A_456 {strides = array<i32>} : memref<12800xf32, #tpu.memory_space<vmem>>, vector<16xf32>,
        %scan3A_463 = arith.constant 6 : i32
        %scan3A_464 = arith.addi %scan3A_142, %scan3A_463 : i32
        %get3A_465 = arith.index_cast %scan3A_464 : i32 to index
        %get3A_466 = arith.constant 0 : index
        %get3A_467 = tpu.vector_load %arg7[%get3A_465, %get3A_466] {strides = array<i32>} : memref<200x128xf32, #tpu.memory_space<vmem>>, vector<16xf32>,
        %get3A_468 = arith.index_cast %scan3A_464 : i32 to index
        %get3A_469 = arith.constant 0 : index
        %get3A_470 = tpu.vector_load %arg12[%get3A_468, %get3A_469] {strides = array<i32>} : memref<200x64xf32, #tpu.memory_space<vmem>>, vector<16xf32>,
        %add3A_471 = arith.addf %get3A_467, %get3A_470 : vector<16xf32>
        %mul3A_472 = arith.constant 64 : i32
        %mul3A_473 = arith.muli %scan3A_464, %mul3A_472 : i32
        %add3A_474 = arith.constant 0 : i32
        %add3A_475 = arith.addi %mul3A_473, %add3A_474 : i32
        %swap3A_476 = arith.index_cast %add3A_475 : i32 to index
        %swap3A_477 = tpu.vector_load %arg8[%swap3A_476] {strides = array<i32>} : memref<12800xf32, #tpu.memory_space<vmem>>, vector<16xf32>,
        tpu.vector_store %arg8[%swap3A_476], %add3A_471 {strides = array<i32>} : memref<12800xf32, #tpu.memory_space<vmem>>, vector<16xf32>,
        %get3A_478 = arith.index_cast %scan3A_464 : i32 to index
        %get3A_479 = arith.constant 16 : index
        %get3A_480 = tpu.vector_load %arg7[%get3A_478, %get3A_479] {strides = array<i32>} : memref<200x128xf32, #tpu.memory_space<vmem>>, vector<16xf32>,
        %get3A_481 = arith.index_cast %scan3A_464 : i32 to index
        %get3A_482 = arith.constant 16 : index
        %get3A_483 = tpu.vector_load %arg12[%get3A_481, %get3A_482] {strides = array<i32>} : memref<200x64xf32, #tpu.memory_space<vmem>>, vector<16xf32>,
        %add3A_484 = arith.addf %get3A_480, %get3A_483 : vector<16xf32>
        %mul3A_485 = arith.constant 64 : i32
        %mul3A_486 = arith.muli %scan3A_464, %mul3A_485 : i32
        %add3A_487 = arith.constant 16 : i32
        %add3A_488 = arith.addi %mul3A_486, %add3A_487 : i32
        %swap3A_489 = arith.index_cast %add3A_488 : i32 to index
        %swap3A_490 = tpu.vector_load %arg8[%swap3A_489] {strides = array<i32>} : memref<12800xf32, #tpu.memory_space<vmem>>, vector<16xf32>,
        tpu.vector_store %arg8[%swap3A_489], %add3A_484 {strides = array<i32>} : memref<12800xf32, #tpu.memory_space<vmem>>, vector<16xf32>,
        %get3A_491 = arith.index_cast %scan3A_464 : i32 to index
        %get3A_492 = arith.constant 32 : index
        %get3A_493 = tpu.vector_load %arg7[%get3A_491, %get3A_492] {strides = array<i32>} : memref<200x128xf32, #tpu.memory_space<vmem>>, vector<16xf32>,
        %get3A_494 = arith.index_cast %scan3A_464 : i32 to index
        %get3A_495 = arith.constant 32 : index
        %get3A_496 = tpu.vector_load %arg12[%get3A_494, %get3A_495] {strides = array<i32>} : memref<200x64xf32, #tpu.memory_space<vmem>>, vector<16xf32>,
        %add3A_497 = arith.addf %get3A_493, %get3A_496 : vector<16xf32>
        %mul3A_498 = arith.constant 64 : i32
        %mul3A_499 = arith.muli %scan3A_464, %mul3A_498 : i32
        %add3A_500 = arith.constant 32 : i32
        %add3A_501 = arith.addi %mul3A_499, %add3A_500 : i32
        %swap3A_502 = arith.index_cast %add3A_501 : i32 to index
        %swap3A_503 = tpu.vector_load %arg8[%swap3A_502] {strides = array<i32>} : memref<12800xf32, #tpu.memory_space<vmem>>, vector<16xf32>,
        tpu.vector_store %arg8[%swap3A_502], %add3A_497 {strides = array<i32>} : memref<12800xf32, #tpu.memory_space<vmem>>, vector<16xf32>,
        %get3A_504 = arith.index_cast %scan3A_464 : i32 to index
        %get3A_505 = arith.constant 48 : index
        %get3A_506 = tpu.vector_load %arg7[%get3A_504, %get3A_505] {strides = array<i32>} : memref<200x128xf32, #tpu.memory_space<vmem>>, vector<16xf32>,
        %get3A_507 = arith.index_cast %scan3A_464 : i32 to index
        %get3A_508 = arith.constant 48 : index
        %get3A_509 = tpu.vector_load %arg12[%get3A_507, %get3A_508] {strides = array<i32>} : memref<200x64xf32, #tpu.memory_space<vmem>>, vector<16xf32>,
        %add3A_510 = arith.addf %get3A_506, %get3A_509 : vector<16xf32>
        %mul3A_511 = arith.constant 64 : i32
        %mul3A_512 = arith.muli %scan3A_464, %mul3A_511 : i32
        %add3A_513 = arith.constant 48 : i32
        %add3A_514 = arith.addi %mul3A_512, %add3A_513 : i32
        %swap3A_515 = arith.index_cast %add3A_514 : i32 to index
        %swap3A_516 = tpu.vector_load %arg8[%swap3A_515] {strides = array<i32>} : memref<12800xf32, #tpu.memory_space<vmem>>, vector<16xf32>,
        tpu.vector_store %arg8[%swap3A_515], %add3A_510 {strides = array<i32>} : memref<12800xf32, #tpu.memory_space<vmem>>, vector<16xf32>,
        %scan3A_517 = arith.constant 7 : i32
        %scan3A_518 = arith.addi %scan3A_142, %scan3A_517 : i32
        %get3A_519 = arith.index_cast %scan3A_518 : i32 to index
        %get3A_520 = arith.constant 0 : index
        %get3A_521 = tpu.vector_load %arg7[%get3A_519, %get3A_520] {strides = array<i32>} : memref<200x128xf32, #tpu.memory_space<vmem>>, vector<16xf32>,
        %get3A_522 = arith.index_cast %scan3A_518 : i32 to index
        %get3A_523 = arith.constant 0 : index
        %get3A_524 = tpu.vector_load %arg12[%get3A_522, %get3A_523] {strides = array<i32>} : memref<200x64xf32, #tpu.memory_space<vmem>>, vector<16xf32>,
        %add3A_525 = arith.addf %get3A_521, %get3A_524 : vector<16xf32>
        %mul3A_526 = arith.constant 64 : i32
        %mul3A_527 = arith.muli %scan3A_518, %mul3A_526 : i32
        %add3A_528 = arith.constant 0 : i32
        %add3A_529 = arith.addi %mul3A_527, %add3A_528 : i32
        %swap3A_530 = arith.index_cast %add3A_529 : i32 to index
        %swap3A_531 = tpu.vector_load %arg8[%swap3A_530] {strides = array<i32>} : memref<12800xf32, #tpu.memory_space<vmem>>, vector<16xf32>,
        tpu.vector_store %arg8[%swap3A_530], %add3A_525 {strides = array<i32>} : memref<12800xf32, #tpu.memory_space<vmem>>, vector<16xf32>,
        %get3A_532 = arith.index_cast %scan3A_518 : i32 to index
        %get3A_533 = arith.constant 16 : index
        %get3A_534 = tpu.vector_load %arg7[%get3A_532, %get3A_533] {strides = array<i32>} : memref<200x128xf32, #tpu.memory_space<vmem>>, vector<16xf32>,
        %get3A_535 = arith.index_cast %scan3A_518 : i32 to index
        %get3A_536 = arith.constant 16 : index
        %get3A_537 = tpu.vector_load %arg12[%get3A_535, %get3A_536] {strides = array<i32>} : memref<200x64xf32, #tpu.memory_space<vmem>>, vector<16xf32>,
        %add3A_538 = arith.addf %get3A_534, %get3A_537 : vector<16xf32>
        %mul3A_539 = arith.constant 64 : i32
        %mul3A_540 = arith.muli %scan3A_518, %mul3A_539 : i32
        %add3A_541 = arith.constant 16 : i32
        %add3A_542 = arith.addi %mul3A_540, %add3A_541 : i32
        %swap3A_543 = arith.index_cast %add3A_542 : i32 to index
        %swap3A_544 = tpu.vector_load %arg8[%swap3A_543] {strides = array<i32>} : memref<12800xf32, #tpu.memory_space<vmem>>, vector<16xf32>,
        tpu.vector_store %arg8[%swap3A_543], %add3A_538 {strides = array<i32>} : memref<12800xf32, #tpu.memory_space<vmem>>, vector<16xf32>,
        %get3A_545 = arith.index_cast %scan3A_518 : i32 to index
        %get3A_546 = arith.constant 32 : index
        %get3A_547 = tpu.vector_load %arg7[%get3A_545, %get3A_546] {strides = array<i32>} : memref<200x128xf32, #tpu.memory_space<vmem>>, vector<16xf32>,
        %get3A_548 = arith.index_cast %scan3A_518 : i32 to index
        %get3A_549 = arith.constant 32 : index
        %get3A_550 = tpu.vector_load %arg12[%get3A_548, %get3A_549] {strides = array<i32>} : memref<200x64xf32, #tpu.memory_space<vmem>>, vector<16xf32>,
        %add3A_551 = arith.addf %get3A_547, %get3A_550 : vector<16xf32>
        %mul3A_552 = arith.constant 64 : i32
        %mul3A_553 = arith.muli %scan3A_518, %mul3A_552 : i32
        %add3A_554 = arith.constant 32 : i32
        %add3A_555 = arith.addi %mul3A_553, %add3A_554 : i32
        %swap3A_556 = arith.index_cast %add3A_555 : i32 to index
        %swap3A_557 = tpu.vector_load %arg8[%swap3A_556] {strides = array<i32>} : memref<12800xf32, #tpu.memory_space<vmem>>, vector<16xf32>,
        tpu.vector_store %arg8[%swap3A_556], %add3A_551 {strides = array<i32>} : memref<12800xf32, #tpu.memory_space<vmem>>, vector<16xf32>,
        %get3A_558 = arith.index_cast %scan3A_518 : i32 to index
        %get3A_559 = arith.constant 48 : index
        %get3A_560 = tpu.vector_load %arg7[%get3A_558, %get3A_559] {strides = array<i32>} : memref<200x128xf32, #tpu.memory_space<vmem>>, vector<16xf32>,
        %get3A_561 = arith.index_cast %scan3A_518 : i32 to index
        %get3A_562 = arith.constant 48 : index
        %get3A_563 = tpu.vector_load %arg12[%get3A_561, %get3A_562] {strides = array<i32>} : memref<200x64xf32, #tpu.memory_space<vmem>>, vector<16xf32>,
        %add3A_564 = arith.addf %get3A_560, %get3A_563 : vector<16xf32>
        %mul3A_565 = arith.constant 64 : i32
        %mul3A_566 = arith.muli %scan3A_518, %mul3A_565 : i32
        %add3A_567 = arith.constant 48 : i32
        %add3A_568 = arith.addi %mul3A_566, %add3A_567 : i32
        %swap3A_569 = arith.index_cast %add3A_568 : i32 to index
        %swap3A_570 = tpu.vector_load %arg8[%swap3A_569] {strides = array<i32>} : memref<12800xf32, #tpu.memory_space<vmem>>, vector<16xf32>,
        tpu.vector_store %arg8[%swap3A_569], %add3A_564 {strides = array<i32>} : memref<12800xf32, #tpu.memory_space<vmem>>, vector<16xf32>,
      }
      %scan3A_81 = arith.constant 200 : i32
      %add3A_82 = arith.addi %multiple_of3A, %add3A_11 : i32
      %add3A_83 = arith.constant 0 : i32
      %add3A_84 = arith.addi %add3A_82, %add3A_83 : i32
      %dma_start3A_85 = arith.constant 0 : i32
      %dma_start3A_86 = arith.constant 0 : i32
      %dma_start3A_87 = tpu.memref_slice %arg5[%add3A_84, %dma_start3A_86] : memref<4096x12800xf32, #tpu.memory_space<hbm>> -> memref<1x12800xf32, #tpu.memory_space<hbm>>
      %dma_start3A_88 = tpu.memref_squeeze %dma_start3A_87 : memref<1x12800xf32, #tpu.memory_space<hbm>> -> memref<12800xf32, #tpu.memory_space<hbm>>
      %dma_start3A_89 = tpu.memref_slice %arg15[%dma_start3A_85] : memref<2x!tpu.dma_semaphore, #tpu.memory_space<semaphore_mem>> -> memref<1x!tpu.dma_semaphore, #tpu.memory_space<semaphore_mem>>
      %dma_start3A_90 = tpu.memref_squeeze %dma_start3A_89 : memref<1x!tpu.dma_semaphore, #tpu.memory_space<semaphore_mem>> -> memref<!tpu.dma_semaphore, #tpu.memory_space<semaphore_mem>>
      %dma_start3A_91 = arith.constant 0 : i32
      %dma_start3A_92 = tpu.memref_slice %arg5[%add3A_84, %dma_start3A_91] : memref<4096x12800xf32, #tpu.memory_space<hbm>> -> memref<1x12800xf32, #tpu.memory_space<hbm>>
      %dma_start3A_93 = tpu.memref_squeeze %dma_start3A_92 : memref<1x12800xf32, #tpu.memory_space<hbm>> -> memref<12800xf32, #tpu.memory_space<hbm>>
      tpu.enqueue_dma source(%arg8 : memref<12800xf32, #tpu.memory_space<vmem>>) target(%dma_start3A_93 : memref<12800xf32, #tpu.memory_space<hbm>>) target_semaphore(%dma_start3A_90 : memref<!tpu.dma_semaphore, #tpu.memory_space<semaphore_mem>>)
      %dma_wait3A_94 = arith.constant 1 : i32
      %dma_wait3A_95 = arith.constant 0 : i32
      %dma_wait3A_96 = arith.constant 0 : i32
      %dma_wait3A_97 = tpu.memref_slice %arg3[%dma_wait3A_95, %dma_wait3A_96] : memref<1000000x128xf32, #tpu.memory_space<hbm>> -> memref<1000000x128xf32, #tpu.memory_space<hbm>>
      %dma_wait3A_98 = tpu.memref_slice %arg14[%dma_wait3A_94] : memref<2x!tpu.dma_semaphore, #tpu.memory_space<semaphore_mem>> -> memref<1x!tpu.dma_semaphore, #tpu.memory_space<semaphore_mem>>
      %dma_wait3A_99 = tpu.memref_squeeze %dma_wait3A_98 : memref<1x!tpu.dma_semaphore, #tpu.memory_space<semaphore_mem>> -> memref<!tpu.dma_semaphore, #tpu.memory_space<semaphore_mem>>
      tpu.wait_indirect_dma semaphore(%dma_wait3A_99 : memref<!tpu.dma_semaphore, #tpu.memory_space<semaphore_mem>>) src(%dma_wait3A_97 : memref<1000000x128xf32, #tpu.memory_space<hbm>>) dst(%arg10 : memref<200x128xf32, #tpu.memory_space<vmem>>)
      %scan3A_100 = arith.constant 0 : i32
      %scan3A_101 = arith.constant 0 : i32
      %scan3A_102 = arith.constant 200 : i32
      %scan3A_103 = arith.addi %scan3A_101, %scan3A_102 : i32
      %scan3A_104 = arith.constant 8 : i32
      scf.for %scan3A_142 = %scan3A_101 to %scan3A_103 step %scan3A_104  : i32 {
        %get3A = arith.index_cast %scan3A_142 : i32 to index
        %get3A_143 = arith.constant 0 : index
        %get3A_144 = tpu.vector_load %arg10[%get3A, %get3A_143] {strides = array<i32>} : memref<200x128xf32, #tpu.memory_space<vmem>>, vector<16xf32>,
        %get3A_145 = arith.index_cast %scan3A_142 : i32 to index
        %get3A_146 = arith.constant 0 : index
        %get3A_147 = tpu.vector_load %arg12[%get3A_145, %get3A_146] {strides = array<i32>} : memref<200x64xf32, #tpu.memory_space<vmem>>, vector<16xf32>,
        %add3A_148 = arith.addf %get3A_144, %get3A_147 : vector<16xf32>
        %mul3A_149 = arith.constant 64 : i32
        %mul3A_150 = arith.muli %scan3A_142, %mul3A_149 : i32
        %add3A_151 = arith.constant 0 : i32
        %add3A_152 = arith.addi %mul3A_150, %add3A_151 : i32
        %swap3A = arith.index_cast %add3A_152 : i32 to index
        %swap3A_153 = tpu.vector_load %arg11[%swap3A] {strides = array<i32>} : memref<12800xf32, #tpu.memory_space<vmem>>, vector<16xf32>,
        tpu.vector_store %arg11[%swap3A], %add3A_148 {strides = array<i32>} : memref<12800xf32, #tpu.memory_space<vmem>>, vector<16xf32>,
        %get3A_154 = arith.index_cast %scan3A_142 : i32 to index
        %get3A_155 = arith.constant 16 : index
        %get3A_156 = tpu.vector_load %arg10[%get3A_154, %get3A_155] {strides = array<i32>} : memref<200x128xf32, #tpu.memory_space<vmem>>, vector<16xf32>,
        %get3A_157 = arith.index_cast %scan3A_142 : i32 to index
        %get3A_158 = arith.constant 16 : index
        %get3A_159 = tpu.vector_load %arg12[%get3A_157, %get3A_158] {strides = array<i32>} : memref<200x64xf32, #tpu.memory_space<vmem>>, vector<16xf32>,
        %add3A_160 = arith.addf %get3A_156, %get3A_159 : vector<16xf32>
        %mul3A_161 = arith.constant 64 : i32
        %mul3A_162 = arith.muli %scan3A_142, %mul3A_161 : i32
        %add3A_163 = arith.constant 16 : i32
        %add3A_164 = arith.addi %mul3A_162, %add3A_163 : i32
        %swap3A_165 = arith.index_cast %add3A_164 : i32 to index
        %swap3A_166 = tpu.vector_load %arg11[%swap3A_165] {strides = array<i32>} : memref<12800xf32, #tpu.memory_space<vmem>>, vector<16xf32>,
        tpu.vector_store %arg11[%swap3A_165], %add3A_160 {strides = array<i32>} : memref<12800xf32, #tpu.memory_space<vmem>>, vector<16xf32>,
        %get3A_167 = arith.index_cast %scan3A_142 : i32 to index
        %get3A_168 = arith.constant 32 : index
        %get3A_169 = tpu.vector_load %arg10[%get3A_167, %get3A_168] {strides = array<i32>} : memref<200x128xf32, #tpu.memory_space<vmem>>, vector<16xf32>,
        %get3A_170 = arith.index_cast %scan3A_142 : i32 to index
        %get3A_171 = arith.constant 32 : index
        %get3A_172 = tpu.vector_load %arg12[%get3A_170, %get3A_171] {strides = array<i32>} : memref<200x64xf32, #tpu.memory_space<vmem>>, vector<16xf32>,
        %add3A_173 = arith.addf %get3A_169, %get3A_172 : vector<16xf32>
        %mul3A_174 = arith.constant 64 : i32
        %mul3A_175 = arith.muli %scan3A_142, %mul3A_174 : i32
        %add3A_176 = arith.constant 32 : i32
        %add3A_177 = arith.addi %mul3A_175, %add3A_176 : i32
        %swap3A_178 = arith.index_cast %add3A_177 : i32 to index
        %swap3A_179 = tpu.vector_load %arg11[%swap3A_178] {strides = array<i32>} : memref<12800xf32, #tpu.memory_space<vmem>>, vector<16xf32>,
        tpu.vector_store %arg11[%swap3A_178], %add3A_173 {strides = array<i32>} : memref<12800xf32, #tpu.memory_space<vmem>>, vector<16xf32>,
        %get3A_180 = arith.index_cast %scan3A_142 : i32 to index
        %get3A_181 = arith.constant 48 : index
        %get3A_182 = tpu.vector_load %arg10[%get3A_180, %get3A_181] {strides = array<i32>} : memref<200x128xf32, #tpu.memory_space<vmem>>, vector<16xf32>,
        %get3A_183 = arith.index_cast %scan3A_142 : i32 to index
        %get3A_184 = arith.constant 48 : index
        %get3A_185 = tpu.vector_load %arg12[%get3A_183, %get3A_184] {strides = array<i32>} : memref<200x64xf32, #tpu.memory_space<vmem>>, vector<16xf32>,
        %add3A_186 = arith.addf %get3A_182, %get3A_185 : vector<16xf32>
        %mul3A_187 = arith.constant 64 : i32
        %mul3A_188 = arith.muli %scan3A_142, %mul3A_187 : i32
        %add3A_189 = arith.constant 48 : i32
        %add3A_190 = arith.addi %mul3A_188, %add3A_189 : i32
        %swap3A_191 = arith.index_cast %add3A_190 : i32 to index
        %swap3A_192 = tpu.vector_load %arg11[%swap3A_191] {strides = array<i32>} : memref<12800xf32, #tpu.memory_space<vmem>>, vector<16xf32>,
        tpu.vector_store %arg11[%swap3A_191], %add3A_186 {strides = array<i32>} : memref<12800xf32, #tpu.memory_space<vmem>>, vector<16xf32>,
        %scan3A_193 = arith.constant 1 : i32
        %scan3A_194 = arith.addi %scan3A_142, %scan3A_193 : i32
        %get3A_195 = arith.index_cast %scan3A_194 : i32 to index
        %get3A_196 = arith.constant 0 : index
        %get3A_197 = tpu.vector_load %arg10[%get3A_195, %get3A_196] {strides = array<i32>} : memref<200x128xf32, #tpu.memory_space<vmem>>, vector<16xf32>,
        %get3A_198 = arith.index_cast %scan3A_194 : i32 to index
        %get3A_199 = arith.constant 0 : index
        %get3A_200 = tpu.vector_load %arg12[%get3A_198, %get3A_199] {strides = array<i32>} : memref<200x64xf32, #tpu.memory_space<vmem>>, vector<16xf32>,
        %add3A_201 = arith.addf %get3A_197, %get3A_200 : vector<16xf32>
        %mul3A_202 = arith.constant 64 : i32
        %mul3A_203 = arith.muli %scan3A_194, %mul3A_202 : i32
        %add3A_204 = arith.constant 0 : i32
        %add3A_205 = arith.addi %mul3A_203, %add3A_204 : i32
        %swap3A_206 = arith.index_cast %add3A_205 : i32 to index
        %swap3A_207 = tpu.vector_load %arg11[%swap3A_206] {strides = array<i32>} : memref<12800xf32, #tpu.memory_space<vmem>>, vector<16xf32>,
        tpu.vector_store %arg11[%swap3A_206], %add3A_201 {strides = array<i32>} : memref<12800xf32, #tpu.memory_space<vmem>>, vector<16xf32>,
        %get3A_208 = arith.index_cast %scan3A_194 : i32 to index
        %get3A_209 = arith.constant 16 : index
        %get3A_210 = tpu.vector_load %arg10[%get3A_208, %get3A_209] {strides = array<i32>} : memref<200x128xf32, #tpu.memory_space<vmem>>, vector<16xf32>,
        %get3A_211 = arith.index_cast %scan3A_194 : i32 to index
        %get3A_212 = arith.constant 16 : index
        %get3A_213 = tpu.vector_load %arg12[%get3A_211, %get3A_212] {strides = array<i32>} : memref<200x64xf32, #tpu.memory_space<vmem>>, vector<16xf32>,
        %add3A_214 = arith.addf %get3A_210, %get3A_213 : vector<16xf32>
        %mul3A_215 = arith.constant 64 : i32
        %mul3A_216 = arith.muli %scan3A_194, %mul3A_215 : i32
        %add3A_217 = arith.constant 16 : i32
        %add3A_218 = arith.addi %mul3A_216, %add3A_217 : i32
        %swap3A_219 = arith.index_cast %add3A_218 : i32 to index
        %swap3A_220 = tpu.vector_load %arg11[%swap3A_219] {strides = array<i32>} : memref<12800xf32, #tpu.memory_space<vmem>>, vector<16xf32>,
        tpu.vector_store %arg11[%swap3A_219], %add3A_214 {strides = array<i32>} : memref<12800xf32, #tpu.memory_space<vmem>>, vector<16xf32>,
        %get3A_221 = arith.index_cast %scan3A_194 : i32 to index
        %get3A_222 = arith.constant 32 : index
        %get3A_223 = tpu.vector_load %arg10[%get3A_221, %get3A_222] {strides = array<i32>} : memref<200x128xf32, #tpu.memory_space<vmem>>, vector<16xf32>,
        %get3A_224 = arith.index_cast %scan3A_194 : i32 to index
        %get3A_225 = arith.constant 32 : index
        %get3A_226 = tpu.vector_load %arg12[%get3A_224, %get3A_225] {strides = array<i32>} : memref<200x64xf32, #tpu.memory_space<vmem>>, vector<16xf32>,
        %add3A_227 = arith.addf %get3A_223, %get3A_226 : vector<16xf32>
        %mul3A_228 = arith.constant 64 : i32
        %mul3A_229 = arith.muli %scan3A_194, %mul3A_228 : i32
        %add3A_230 = arith.constant 32 : i32
        %add3A_231 = arith.addi %mul3A_229, %add3A_230 : i32
        %swap3A_232 = arith.index_cast %add3A_231 : i32 to index
        %swap3A_233 = tpu.vector_load %arg11[%swap3A_232] {strides = array<i32>} : memref<12800xf32, #tpu.memory_space<vmem>>, vector<16xf32>,
        tpu.vector_store %arg11[%swap3A_232], %add3A_227 {strides = array<i32>} : memref<12800xf32, #tpu.memory_space<vmem>>, vector<16xf32>,
        %get3A_234 = arith.index_cast %scan3A_194 : i32 to index
        %get3A_235 = arith.constant 48 : index
        %get3A_236 = tpu.vector_load %arg10[%get3A_234, %get3A_235] {strides = array<i32>} : memref<200x128xf32, #tpu.memory_space<vmem>>, vector<16xf32>,
        %get3A_237 = arith.index_cast %scan3A_194 : i32 to index
        %get3A_238 = arith.constant 48 : index
        %get3A_239 = tpu.vector_load %arg12[%get3A_237, %get3A_238] {strides = array<i32>} : memref<200x64xf32, #tpu.memory_space<vmem>>, vector<16xf32>,
        %add3A_240 = arith.addf %get3A_236, %get3A_239 : vector<16xf32>
        %mul3A_241 = arith.constant 64 : i32
        %mul3A_242 = arith.muli %scan3A_194, %mul3A_241 : i32
        %add3A_243 = arith.constant 48 : i32
        %add3A_244 = arith.addi %mul3A_242, %add3A_243 : i32
        %swap3A_245 = arith.index_cast %add3A_244 : i32 to index
        %swap3A_246 = tpu.vector_load %arg11[%swap3A_245] {strides = array<i32>} : memref<12800xf32, #tpu.memory_space<vmem>>, vector<16xf32>,
        tpu.vector_store %arg11[%swap3A_245], %add3A_240 {strides = array<i32>} : memref<12800xf32, #tpu.memory_space<vmem>>, vector<16xf32>,
        %scan3A_247 = arith.constant 2 : i32
        %scan3A_248 = arith.addi %scan3A_142, %scan3A_247 : i32
        %get3A_249 = arith.index_cast %scan3A_248 : i32 to index
        %get3A_250 = arith.constant 0 : index
        %get3A_251 = tpu.vector_load %arg10[%get3A_249, %get3A_250] {strides = array<i32>} : memref<200x128xf32, #tpu.memory_space<vmem>>, vector<16xf32>,
        %get3A_252 = arith.index_cast %scan3A_248 : i32 to index
        %get3A_253 = arith.constant 0 : index
        %get3A_254 = tpu.vector_load %arg12[%get3A_252, %get3A_253] {strides = array<i32>} : memref<200x64xf32, #tpu.memory_space<vmem>>, vector<16xf32>,
        %add3A_255 = arith.addf %get3A_251, %get3A_254 : vector<16xf32>
        %mul3A_256 = arith.constant 64 : i32
        %mul3A_257 = arith.muli %scan3A_248, %mul3A_256 : i32
        %add3A_258 = arith.constant 0 : i32
        %add3A_259 = arith.addi %mul3A_257, %add3A_258 : i32
        %swap3A_260 = arith.index_cast %add3A_259 : i32 to index
        %swap3A_261 = tpu.vector_load %arg11[%swap3A_260] {strides = array<i32>} : memref<12800xf32, #tpu.memory_space<vmem>>, vector<16xf32>,
        tpu.vector_store %arg11[%swap3A_260], %add3A_255 {strides = array<i32>} : memref<12800xf32, #tpu.memory_space<vmem>>, vector<16xf32>,
        %get3A_262 = arith.index_cast %scan3A_248 : i32 to index
        %get3A_263 = arith.constant 16 : index
        %get3A_264 = tpu.vector_load %arg10[%get3A_262, %get3A_263] {strides = array<i32>} : memref<200x128xf32, #tpu.memory_space<vmem>>, vector<16xf32>,
        %get3A_265 = arith.index_cast %scan3A_248 : i32 to index
        %get3A_266 = arith.constant 16 : index
        %get3A_267 = tpu.vector_load %arg12[%get3A_265, %get3A_266] {strides = array<i32>} : memref<200x64xf32, #tpu.memory_space<vmem>>, vector<16xf32>,
        %add3A_268 = arith.addf %get3A_264, %get3A_267 : vector<16xf32>
        %mul3A_269 = arith.constant 64 : i32
        %mul3A_270 = arith.muli %scan3A_248, %mul3A_269 : i32
        %add3A_271 = arith.constant 16 : i32
        %add3A_272 = arith.addi %mul3A_270, %add3A_271 : i32
        %swap3A_273 = arith.index_cast %add3A_272 : i32 to index
        %swap3A_274 = tpu.vector_load %arg11[%swap3A_273] {strides = array<i32>} : memref<12800xf32, #tpu.memory_space<vmem>>, vector<16xf32>,
        tpu.vector_store %arg11[%swap3A_273], %add3A_268 {strides = array<i32>} : memref<12800xf32, #tpu.memory_space<vmem>>, vector<16xf32>,
        %get3A_275 = arith.index_cast %scan3A_248 : i32 to index
        %get3A_276 = arith.constant 32 : index
        %get3A_277 = tpu.vector_load %arg10[%get3A_275, %get3A_276] {strides = array<i32>} : memref<200x128xf32, #tpu.memory_space<vmem>>, vector<16xf32>,
        %get3A_278 = arith.index_cast %scan3A_248 : i32 to index
        %get3A_279 = arith.constant 32 : index
        %get3A_280 = tpu.vector_load %arg12[%get3A_278, %get3A_279] {strides = array<i32>} : memref<200x64xf32, #tpu.memory_space<vmem>>, vector<16xf32>,
        %add3A_281 = arith.addf %get3A_277, %get3A_280 : vector<16xf32>
        %mul3A_282 = arith.constant 64 : i32
        %mul3A_283 = arith.muli %scan3A_248, %mul3A_282 : i32
        %add3A_284 = arith.constant 32 : i32
        %add3A_285 = arith.addi %mul3A_283, %add3A_284 : i32
        %swap3A_286 = arith.index_cast %add3A_285 : i32 to index
        %swap3A_287 = tpu.vector_load %arg11[%swap3A_286] {strides = array<i32>} : memref<12800xf32, #tpu.memory_space<vmem>>, vector<16xf32>,
        tpu.vector_store %arg11[%swap3A_286], %add3A_281 {strides = array<i32>} : memref<12800xf32, #tpu.memory_space<vmem>>, vector<16xf32>,
        %get3A_288 = arith.index_cast %scan3A_248 : i32 to index
        %get3A_289 = arith.constant 48 : index
        %get3A_290 = tpu.vector_load %arg10[%get3A_288, %get3A_289] {strides = array<i32>} : memref<200x128xf32, #tpu.memory_space<vmem>>, vector<16xf32>,
        %get3A_291 = arith.index_cast %scan3A_248 : i32 to index
        %get3A_292 = arith.constant 48 : index
        %get3A_293 = tpu.vector_load %arg12[%get3A_291, %get3A_292] {strides = array<i32>} : memref<200x64xf32, #tpu.memory_space<vmem>>, vector<16xf32>,
        %add3A_294 = arith.addf %get3A_290, %get3A_293 : vector<16xf32>
        %mul3A_295 = arith.constant 64 : i32
        %mul3A_296 = arith.muli %scan3A_248, %mul3A_295 : i32
        %add3A_297 = arith.constant 48 : i32
        %add3A_298 = arith.addi %mul3A_296, %add3A_297 : i32
        %swap3A_299 = arith.index_cast %add3A_298 : i32 to index
        %swap3A_300 = tpu.vector_load %arg11[%swap3A_299] {strides = array<i32>} : memref<12800xf32, #tpu.memory_space<vmem>>, vector<16xf32>,
        tpu.vector_store %arg11[%swap3A_299], %add3A_294 {strides = array<i32>} : memref<12800xf32, #tpu.memory_space<vmem>>, vector<16xf32>,
        %scan3A_301 = arith.constant 3 : i32
        %scan3A_302 = arith.addi %scan3A_142, %scan3A_301 : i32
        %get3A_303 = arith.index_cast %scan3A_302 : i32 to index
        %get3A_304 = arith.constant 0 : index
        %get3A_305 = tpu.vector_load %arg10[%get3A_303, %get3A_304] {strides = array<i32>} : memref<200x128xf32, #tpu.memory_space<vmem>>, vector<16xf32>,
        %get3A_306 = arith.index_cast %scan3A_302 : i32 to index
        %get3A_307 = arith.constant 0 : index
        %get3A_308 = tpu.vector_load %arg12[%get3A_306, %get3A_307] {strides = array<i32>} : memref<200x64xf32, #tpu.memory_space<vmem>>, vector<16xf32>,
        %add3A_309 = arith.addf %get3A_305, %get3A_308 : vector<16xf32>
        %mul3A_310 = arith.constant 64 : i32
        %mul3A_311 = arith.muli %scan3A_302, %mul3A_310 : i32
        %add3A_312 = arith.constant 0 : i32
        %add3A_313 = arith.addi %mul3A_311, %add3A_312 : i32
        %swap3A_314 = arith.index_cast %add3A_313 : i32 to index
        %swap3A_315 = tpu.vector_load %arg11[%swap3A_314] {strides = array<i32>} : memref<12800xf32, #tpu.memory_space<vmem>>, vector<16xf32>,
        tpu.vector_store %arg11[%swap3A_314], %add3A_309 {strides = array<i32>} : memref<12800xf32, #tpu.memory_space<vmem>>, vector<16xf32>,
        %get3A_316 = arith.index_cast %scan3A_302 : i32 to index
        %get3A_317 = arith.constant 16 : index
        %get3A_318 = tpu.vector_load %arg10[%get3A_316, %get3A_317] {strides = array<i32>} : memref<200x128xf32, #tpu.memory_space<vmem>>, vector<16xf32>,
        %get3A_319 = arith.index_cast %scan3A_302 : i32 to index
        %get3A_320 = arith.constant 16 : index
        %get3A_321 = tpu.vector_load %arg12[%get3A_319, %get3A_320] {strides = array<i32>} : memref<200x64xf32, #tpu.memory_space<vmem>>, vector<16xf32>,
        %add3A_322 = arith.addf %get3A_318, %get3A_321 : vector<16xf32>
        %mul3A_323 = arith.constant 64 : i32
        %mul3A_324 = arith.muli %scan3A_302, %mul3A_323 : i32
        %add3A_325 = arith.constant 16 : i32
        %add3A_326 = arith.addi %mul3A_324, %add3A_325 : i32
        %swap3A_327 = arith.index_cast %add3A_326 : i32 to index
        %swap3A_328 = tpu.vector_load %arg11[%swap3A_327] {strides = array<i32>} : memref<12800xf32, #tpu.memory_space<vmem>>, vector<16xf32>,
        tpu.vector_store %arg11[%swap3A_327], %add3A_322 {strides = array<i32>} : memref<12800xf32, #tpu.memory_space<vmem>>, vector<16xf32>,
        %get3A_329 = arith.index_cast %scan3A_302 : i32 to index
        %get3A_330 = arith.constant 32 : index
        %get3A_331 = tpu.vector_load %arg10[%get3A_329, %get3A_330] {strides = array<i32>} : memref<200x128xf32, #tpu.memory_space<vmem>>, vector<16xf32>,
        %get3A_332 = arith.index_cast %scan3A_302 : i32 to index
        %get3A_333 = arith.constant 32 : index
        %get3A_334 = tpu.vector_load %arg12[%get3A_332, %get3A_333] {strides = array<i32>} : memref<200x64xf32, #tpu.memory_space<vmem>>, vector<16xf32>,
        %add3A_335 = arith.addf %get3A_331, %get3A_334 : vector<16xf32>
        %mul3A_336 = arith.constant 64 : i32
        %mul3A_337 = arith.muli %scan3A_302, %mul3A_336 : i32
        %add3A_338 = arith.constant 32 : i32
        %add3A_339 = arith.addi %mul3A_337, %add3A_338 : i32
        %swap3A_340 = arith.index_cast %add3A_339 : i32 to index
        %swap3A_341 = tpu.vector_load %arg11[%swap3A_340] {strides = array<i32>} : memref<12800xf32, #tpu.memory_space<vmem>>, vector<16xf32>,
        tpu.vector_store %arg11[%swap3A_340], %add3A_335 {strides = array<i32>} : memref<12800xf32, #tpu.memory_space<vmem>>, vector<16xf32>,
        %get3A_342 = arith.index_cast %scan3A_302 : i32 to index
        %get3A_343 = arith.constant 48 : index
        %get3A_344 = tpu.vector_load %arg10[%get3A_342, %get3A_343] {strides = array<i32>} : memref<200x128xf32, #tpu.memory_space<vmem>>, vector<16xf32>,
        %get3A_345 = arith.index_cast %scan3A_302 : i32 to index
        %get3A_346 = arith.constant 48 : index
        %get3A_347 = tpu.vector_load %arg12[%get3A_345, %get3A_346] {strides = array<i32>} : memref<200x64xf32, #tpu.memory_space<vmem>>, vector<16xf32>,
        %add3A_348 = arith.addf %get3A_344, %get3A_347 : vector<16xf32>
        %mul3A_349 = arith.constant 64 : i32
        %mul3A_350 = arith.muli %scan3A_302, %mul3A_349 : i32
        %add3A_351 = arith.constant 48 : i32
        %add3A_352 = arith.addi %mul3A_350, %add3A_351 : i32
        %swap3A_353 = arith.index_cast %add3A_352 : i32 to index
        %swap3A_354 = tpu.vector_load %arg11[%swap3A_353] {strides = array<i32>} : memref<12800xf32, #tpu.memory_space<vmem>>, vector<16xf32>,
        tpu.vector_store %arg11[%swap3A_353], %add3A_348 {strides = array<i32>} : memref<12800xf32, #tpu.memory_space<vmem>>, vector<16xf32>,
        %scan3A_355 = arith.constant 4 : i32
        %scan3A_356 = arith.addi %scan3A_142, %scan3A_355 : i32
        %get3A_357 = arith.index_cast %scan3A_356 : i32 to index
        %get3A_358 = arith.constant 0 : index
        %get3A_359 = tpu.vector_load %arg10[%get3A_357, %get3A_358] {strides = array<i32>} : memref<200x128xf32, #tpu.memory_space<vmem>>, vector<16xf32>,
        %get3A_360 = arith.index_cast %scan3A_356 : i32 to index
        %get3A_361 = arith.constant 0 : index
        %get3A_362 = tpu.vector_load %arg12[%get3A_360, %get3A_361] {strides = array<i32>} : memref<200x64xf32, #tpu.memory_space<vmem>>, vector<16xf32>,
        %add3A_363 = arith.addf %get3A_359, %get3A_362 : vector<16xf32>
        %mul3A_364 = arith.constant 64 : i32
        %mul3A_365 = arith.muli %scan3A_356, %mul3A_364 : i32
        %add3A_366 = arith.constant 0 : i32
        %add3A_367 = arith.addi %mul3A_365, %add3A_366 : i32
        %swap3A_368 = arith.index_cast %add3A_367 : i32 to index
        %swap3A_369 = tpu.vector_load %arg11[%swap3A_368] {strides = array<i32>} : memref<12800xf32, #tpu.memory_space<vmem>>, vector<16xf32>,
        tpu.vector_store %arg11[%swap3A_368], %add3A_363 {strides = array<i32>} : memref<12800xf32, #tpu.memory_space<vmem>>, vector<16xf32>,
        %get3A_370 = arith.index_cast %scan3A_356 : i32 to index
        %get3A_371 = arith.constant 16 : index
        %get3A_372 = tpu.vector_load %arg10[%get3A_370, %get3A_371] {strides = array<i32>} : memref<200x128xf32, #tpu.memory_space<vmem>>, vector<16xf32>,
        %get3A_373 = arith.index_cast %scan3A_356 : i32 to index
        %get3A_374 = arith.constant 16 : index
        %get3A_375 = tpu.vector_load %arg12[%get3A_373, %get3A_374] {strides = array<i32>} : memref<200x64xf32, #tpu.memory_space<vmem>>, vector<16xf32>,
        %add3A_376 = arith.addf %get3A_372, %get3A_375 : vector<16xf32>
        %mul3A_377 = arith.constant 64 : i32
        %mul3A_378 = arith.muli %scan3A_356, %mul3A_377 : i32
        %add3A_379 = arith.constant 16 : i32
        %add3A_380 = arith.addi %mul3A_378, %add3A_379 : i32
        %swap3A_381 = arith.index_cast %add3A_380 : i32 to index
        %swap3A_382 = tpu.vector_load %arg11[%swap3A_381] {strides = array<i32>} : memref<12800xf32, #tpu.memory_space<vmem>>, vector<16xf32>,
        tpu.vector_store %arg11[%swap3A_381], %add3A_376 {strides = array<i32>} : memref<12800xf32, #tpu.memory_space<vmem>>, vector<16xf32>,
        %get3A_383 = arith.index_cast %scan3A_356 : i32 to index
        %get3A_384 = arith.constant 32 : index
        %get3A_385 = tpu.vector_load %arg10[%get3A_383, %get3A_384] {strides = array<i32>} : memref<200x128xf32, #tpu.memory_space<vmem>>, vector<16xf32>,
        %get3A_386 = arith.index_cast %scan3A_356 : i32 to index
        %get3A_387 = arith.constant 32 : index
        %get3A_388 = tpu.vector_load %arg12[%get3A_386, %get3A_387] {strides = array<i32>} : memref<200x64xf32, #tpu.memory_space<vmem>>, vector<16xf32>,
        %add3A_389 = arith.addf %get3A_385, %get3A_388 : vector<16xf32>
        %mul3A_390 = arith.constant 64 : i32
        %mul3A_391 = arith.muli %scan3A_356, %mul3A_390 : i32
        %add3A_392 = arith.constant 32 : i32
        %add3A_393 = arith.addi %mul3A_391, %add3A_392 : i32
        %swap3A_394 = arith.index_cast %add3A_393 : i32 to index
        %swap3A_395 = tpu.vector_load %arg11[%swap3A_394] {strides = array<i32>} : memref<12800xf32, #tpu.memory_space<vmem>>, vector<16xf32>,
        tpu.vector_store %arg11[%swap3A_394], %add3A_389 {strides = array<i32>} : memref<12800xf32, #tpu.memory_space<vmem>>, vector<16xf32>,
        %get3A_396 = arith.index_cast %scan3A_356 : i32 to index
        %get3A_397 = arith.constant 48 : index
        %get3A_398 = tpu.vector_load %arg10[%get3A_396, %get3A_397] {strides = array<i32>} : memref<200x128xf32, #tpu.memory_space<vmem>>, vector<16xf32>,
        %get3A_399 = arith.index_cast %scan3A_356 : i32 to index
        %get3A_400 = arith.constant 48 : index
        %get3A_401 = tpu.vector_load %arg12[%get3A_399, %get3A_400] {strides = array<i32>} : memref<200x64xf32, #tpu.memory_space<vmem>>, vector<16xf32>,
        %add3A_402 = arith.addf %get3A_398, %get3A_401 : vector<16xf32>
        %mul3A_403 = arith.constant 64 : i32
        %mul3A_404 = arith.muli %scan3A_356, %mul3A_403 : i32
        %add3A_405 = arith.constant 48 : i32
        %add3A_406 = arith.addi %mul3A_404, %add3A_405 : i32
        %swap3A_407 = arith.index_cast %add3A_406 : i32 to index
        %swap3A_408 = tpu.vector_load %arg11[%swap3A_407] {strides = array<i32>} : memref<12800xf32, #tpu.memory_space<vmem>>, vector<16xf32>,
        tpu.vector_store %arg11[%swap3A_407], %add3A_402 {strides = array<i32>} : memref<12800xf32, #tpu.memory_space<vmem>>, vector<16xf32>,
        %scan3A_409 = arith.constant 5 : i32
        %scan3A_410 = arith.addi %scan3A_142, %scan3A_409 : i32
        %get3A_411 = arith.index_cast %scan3A_410 : i32 to index
        %get3A_412 = arith.constant 0 : index
        %get3A_413 = tpu.vector_load %arg10[%get3A_411, %get3A_412] {strides = array<i32>} : memref<200x128xf32, #tpu.memory_space<vmem>>, vector<16xf32>,
        %get3A_414 = arith.index_cast %scan3A_410 : i32 to index
        %get3A_415 = arith.constant 0 : index
        %get3A_416 = tpu.vector_load %arg12[%get3A_414, %get3A_415] {strides = array<i32>} : memref<200x64xf32, #tpu.memory_space<vmem>>, vector<16xf32>,
        %add3A_417 = arith.addf %get3A_413, %get3A_416 : vector<16xf32>
        %mul3A_418 = arith.constant 64 : i32
        %mul3A_419 = arith.muli %scan3A_410, %mul3A_418 : i32
        %add3A_420 = arith.constant 0 : i32
        %add3A_421 = arith.addi %mul3A_419, %add3A_420 : i32
        %swap3A_422 = arith.index_cast %add3A_421 : i32 to index
        %swap3A_423 = tpu.vector_load %arg11[%swap3A_422] {strides = array<i32>} : memref<12800xf32, #tpu.memory_space<vmem>>, vector<16xf32>,
        tpu.vector_store %arg11[%swap3A_422], %add3A_417 {strides = array<i32>} : memref<12800xf32, #tpu.memory_space<vmem>>, vector<16xf32>,
        %get3A_424 = arith.index_cast %scan3A_410 : i32 to index
        %get3A_425 = arith.constant 16 : index
        %get3A_426 = tpu.vector_load %arg10[%get3A_424, %get3A_425] {strides = array<i32>} : memref<200x128xf32, #tpu.memory_space<vmem>>, vector<16xf32>,
        %get3A_427 = arith.index_cast %scan3A_410 : i32 to index
        %get3A_428 = arith.constant 16 : index
        %get3A_429 = tpu.vector_load %arg12[%get3A_427, %get3A_428] {strides = array<i32>} : memref<200x64xf32, #tpu.memory_space<vmem>>, vector<16xf32>,
        %add3A_430 = arith.addf %get3A_426, %get3A_429 : vector<16xf32>
        %mul3A_431 = arith.constant 64 : i32
        %mul3A_432 = arith.muli %scan3A_410, %mul3A_431 : i32
        %add3A_433 = arith.constant 16 : i32
        %add3A_434 = arith.addi %mul3A_432, %add3A_433 : i32
        %swap3A_435 = arith.index_cast %add3A_434 : i32 to index
        %swap3A_436 = tpu.vector_load %arg11[%swap3A_435] {strides = array<i32>} : memref<12800xf32, #tpu.memory_space<vmem>>, vector<16xf32>,
        tpu.vector_store %arg11[%swap3A_435], %add3A_430 {strides = array<i32>} : memref<12800xf32, #tpu.memory_space<vmem>>, vector<16xf32>,
        %get3A_437 = arith.index_cast %scan3A_410 : i32 to index
        %get3A_438 = arith.constant 32 : index
        %get3A_439 = tpu.vector_load %arg10[%get3A_437, %get3A_438] {strides = array<i32>} : memref<200x128xf32, #tpu.memory_space<vmem>>, vector<16xf32>,
        %get3A_440 = arith.index_cast %scan3A_410 : i32 to index
        %get3A_441 = arith.constant 32 : index
        %get3A_442 = tpu.vector_load %arg12[%get3A_440, %get3A_441] {strides = array<i32>} : memref<200x64xf32, #tpu.memory_space<vmem>>, vector<16xf32>,
        %add3A_443 = arith.addf %get3A_439, %get3A_442 : vector<16xf32>
        %mul3A_444 = arith.constant 64 : i32
        %mul3A_445 = arith.muli %scan3A_410, %mul3A_444 : i32
        %add3A_446 = arith.constant 32 : i32
        %add3A_447 = arith.addi %mul3A_445, %add3A_446 : i32
        %swap3A_448 = arith.index_cast %add3A_447 : i32 to index
        %swap3A_449 = tpu.vector_load %arg11[%swap3A_448] {strides = array<i32>} : memref<12800xf32, #tpu.memory_space<vmem>>, vector<16xf32>,
        tpu.vector_store %arg11[%swap3A_448], %add3A_443 {strides = array<i32>} : memref<12800xf32, #tpu.memory_space<vmem>>, vector<16xf32>,
        %get3A_450 = arith.index_cast %scan3A_410 : i32 to index
        %get3A_451 = arith.constant 48 : index
        %get3A_452 = tpu.vector_load %arg10[%get3A_450, %get3A_451] {strides = array<i32>} : memref<200x128xf32, #tpu.memory_space<vmem>>, vector<16xf32>,
        %get3A_453 = arith.index_cast %scan3A_410 : i32 to index
        %get3A_454 = arith.constant 48 : index
        %get3A_455 = tpu.vector_load %arg12[%get3A_453, %get3A_454] {strides = array<i32>} : memref<200x64xf32, #tpu.memory_space<vmem>>, vector<16xf32>,
        %add3A_456 = arith.addf %get3A_452, %get3A_455 : vector<16xf32>
        %mul3A_457 = arith.constant 64 : i32
        %mul3A_458 = arith.muli %scan3A_410, %mul3A_457 : i32
        %add3A_459 = arith.constant 48 : i32
        %add3A_460 = arith.addi %mul3A_458, %add3A_459 : i32
        %swap3A_461 = arith.index_cast %add3A_460 : i32 to index
        %swap3A_462 = tpu.vector_load %arg11[%swap3A_461] {strides = array<i32>} : memref<12800xf32, #tpu.memory_space<vmem>>, vector<16xf32>,
        tpu.vector_store %arg11[%swap3A_461], %add3A_456 {strides = array<i32>} : memref<12800xf32, #tpu.memory_space<vmem>>, vector<16xf32>,
        %scan3A_463 = arith.constant 6 : i32
        %scan3A_464 = arith.addi %scan3A_142, %scan3A_463 : i32
        %get3A_465 = arith.index_cast %scan3A_464 : i32 to index
        %get3A_466 = arith.constant 0 : index
        %get3A_467 = tpu.vector_load %arg10[%get3A_465, %get3A_466] {strides = array<i32>} : memref<200x128xf32, #tpu.memory_space<vmem>>, vector<16xf32>,
        %get3A_468 = arith.index_cast %scan3A_464 : i32 to index
        %get3A_469 = arith.constant 0 : index
        %get3A_470 = tpu.vector_load %arg12[%get3A_468, %get3A_469] {strides = array<i32>} : memref<200x64xf32, #tpu.memory_space<vmem>>, vector<16xf32>,
        %add3A_471 = arith.addf %get3A_467, %get3A_470 : vector<16xf32>
        %mul3A_472 = arith.constant 64 : i32
        %mul3A_473 = arith.muli %scan3A_464, %mul3A_472 : i32
        %add3A_474 = arith.constant 0 : i32
        %add3A_475 = arith.addi %mul3A_473, %add3A_474 : i32
        %swap3A_476 = arith.index_cast %add3A_475 : i32 to index
        %swap3A_477 = tpu.vector_load %arg11[%swap3A_476] {strides = array<i32>} : memref<12800xf32, #tpu.memory_space<vmem>>, vector<16xf32>,
        tpu.vector_store %arg11[%swap3A_476], %add3A_471 {strides = array<i32>} : memref<12800xf32, #tpu.memory_space<vmem>>, vector<16xf32>,
        %get3A_478 = arith.index_cast %scan3A_464 : i32 to index
        %get3A_479 = arith.constant 16 : index
        %get3A_480 = tpu.vector_load %arg10[%get3A_478, %get3A_479] {strides = array<i32>} : memref<200x128xf32, #tpu.memory_space<vmem>>, vector<16xf32>,
        %get3A_481 = arith.index_cast %scan3A_464 : i32 to index
        %get3A_482 = arith.constant 16 : index
        %get3A_483 = tpu.vector_load %arg12[%get3A_481, %get3A_482] {strides = array<i32>} : memref<200x64xf32, #tpu.memory_space<vmem>>, vector<16xf32>,
        %add3A_484 = arith.addf %get3A_480, %get3A_483 : vector<16xf32>
        %mul3A_485 = arith.constant 64 : i32
        %mul3A_486 = arith.muli %scan3A_464, %mul3A_485 : i32
        %add3A_487 = arith.constant 16 : i32
        %add3A_488 = arith.addi %mul3A_486, %add3A_487 : i32
        %swap3A_489 = arith.index_cast %add3A_488 : i32 to index
        %swap3A_490 = tpu.vector_load %arg11[%swap3A_489] {strides = array<i32>} : memref<12800xf32, #tpu.memory_space<vmem>>, vector<16xf32>,
        tpu.vector_store %arg11[%swap3A_489], %add3A_484 {strides = array<i32>} : memref<12800xf32, #tpu.memory_space<vmem>>, vector<16xf32>,
        %get3A_491 = arith.index_cast %scan3A_464 : i32 to index
        %get3A_492 = arith.constant 32 : index
        %get3A_493 = tpu.vector_load %arg10[%get3A_491, %get3A_492] {strides = array<i32>} : memref<200x128xf32, #tpu.memory_space<vmem>>, vector<16xf32>,
        %get3A_494 = arith.index_cast %scan3A_464 : i32 to index
        %get3A_495 = arith.constant 32 : index
        %get3A_496 = tpu.vector_load %arg12[%get3A_494, %get3A_495] {strides = array<i32>} : memref<200x64xf32, #tpu.memory_space<vmem>>, vector<16xf32>,
        %add3A_497 = arith.addf %get3A_493, %get3A_496 : vector<16xf32>
        %mul3A_498 = arith.constant 64 : i32
        %mul3A_499 = arith.muli %scan3A_464, %mul3A_498 : i32
        %add3A_500 = arith.constant 32 : i32
        %add3A_501 = arith.addi %mul3A_499, %add3A_500 : i32
        %swap3A_502 = arith.index_cast %add3A_501 : i32 to index
        %swap3A_503 = tpu.vector_load %arg11[%swap3A_502] {strides = array<i32>} : memref<12800xf32, #tpu.memory_space<vmem>>, vector<16xf32>,
        tpu.vector_store %arg11[%swap3A_502], %add3A_497 {strides = array<i32>} : memref<12800xf32, #tpu.memory_space<vmem>>, vector<16xf32>,
        %get3A_504 = arith.index_cast %scan3A_464 : i32 to index
        %get3A_505 = arith.constant 48 : index
        %get3A_506 = tpu.vector_load %arg10[%get3A_504, %get3A_505] {strides = array<i32>} : memref<200x128xf32, #tpu.memory_space<vmem>>, vector<16xf32>,
        %get3A_507 = arith.index_cast %scan3A_464 : i32 to index
        %get3A_508 = arith.constant 48 : index
        %get3A_509 = tpu.vector_load %arg12[%get3A_507, %get3A_508] {strides = array<i32>} : memref<200x64xf32, #tpu.memory_space<vmem>>, vector<16xf32>,
        %add3A_510 = arith.addf %get3A_506, %get3A_509 : vector<16xf32>
        %mul3A_511 = arith.constant 64 : i32
        %mul3A_512 = arith.muli %scan3A_464, %mul3A_511 : i32
        %add3A_513 = arith.constant 48 : i32
        %add3A_514 = arith.addi %mul3A_512, %add3A_513 : i32
        %swap3A_515 = arith.index_cast %add3A_514 : i32 to index
        %swap3A_516 = tpu.vector_load %arg11[%swap3A_515] {strides = array<i32>} : memref<12800xf32, #tpu.memory_space<vmem>>, vector<16xf32>,
        tpu.vector_store %arg11[%swap3A_515], %add3A_510 {strides = array<i32>} : memref<12800xf32, #tpu.memory_space<vmem>>, vector<16xf32>,
        %scan3A_517 = arith.constant 7 : i32
        %scan3A_518 = arith.addi %scan3A_142, %scan3A_517 : i32
        %get3A_519 = arith.index_cast %scan3A_518 : i32 to index
        %get3A_520 = arith.constant 0 : index
        %get3A_521 = tpu.vector_load %arg10[%get3A_519, %get3A_520] {strides = array<i32>} : memref<200x128xf32, #tpu.memory_space<vmem>>, vector<16xf32>,
        %get3A_522 = arith.index_cast %scan3A_518 : i32 to index
        %get3A_523 = arith.constant 0 : index
        %get3A_524 = tpu.vector_load %arg12[%get3A_522, %get3A_523] {strides = array<i32>} : memref<200x64xf32, #tpu.memory_space<vmem>>, vector<16xf32>,
        %add3A_525 = arith.addf %get3A_521, %get3A_524 : vector<16xf32>
        %mul3A_526 = arith.constant 64 : i32
        %mul3A_527 = arith.muli %scan3A_518, %mul3A_526 : i32
        %add3A_528 = arith.constant 0 : i32
        %add3A_529 = arith.addi %mul3A_527, %add3A_528 : i32
        %swap3A_530 = arith.index_cast %add3A_529 : i32 to index
        %swap3A_531 = tpu.vector_load %arg11[%swap3A_530] {strides = array<i32>} : memref<12800xf32, #tpu.memory_space<vmem>>, vector<16xf32>,
        tpu.vector_store %arg11[%swap3A_530], %add3A_525 {strides = array<i32>} : memref<12800xf32, #tpu.memory_space<vmem>>, vector<16xf32>,
        %get3A_532 = arith.index_cast %scan3A_518 : i32 to index
        %get3A_533 = arith.constant 16 : index
        %get3A_534 = tpu.vector_load %arg10[%get3A_532, %get3A_533] {strides = array<i32>} : memref<200x128xf32, #tpu.memory_space<vmem>>, vector<16xf32>,
        %get3A_535 = arith.index_cast %scan3A_518 : i32 to index
        %get3A_536 = arith.constant 16 : index
        %get3A_537 = tpu.vector_load %arg12[%get3A_535, %get3A_536] {strides = array<i32>} : memref<200x64xf32, #tpu.memory_space<vmem>>, vector<16xf32>,
        %add3A_538 = arith.addf %get3A_534, %get3A_537 : vector<16xf32>
        %mul3A_539 = arith.constant 64 : i32
        %mul3A_540 = arith.muli %scan3A_518, %mul3A_539 : i32
        %add3A_541 = arith.constant 16 : i32
        %add3A_542 = arith.addi %mul3A_540, %add3A_541 : i32
        %swap3A_543 = arith.index_cast %add3A_542 : i32 to index
        %swap3A_544 = tpu.vector_load %arg11[%swap3A_543] {strides = array<i32>} : memref<12800xf32, #tpu.memory_space<vmem>>, vector<16xf32>,
        tpu.vector_store %arg11[%swap3A_543], %add3A_538 {strides = array<i32>} : memref<12800xf32, #tpu.memory_space<vmem>>, vector<16xf32>,
        %get3A_545 = arith.index_cast %scan3A_518 : i32 to index
        %get3A_546 = arith.constant 32 : index
        %get3A_547 = tpu.vector_load %arg10[%get3A_545, %get3A_546] {strides = array<i32>} : memref<200x128xf32, #tpu.memory_space<vmem>>, vector<16xf32>,
        %get3A_548 = arith.index_cast %scan3A_518 : i32 to index
        %get3A_549 = arith.constant 32 : index
        %get3A_550 = tpu.vector_load %arg12[%get3A_548, %get3A_549] {strides = array<i32>} : memref<200x64xf32, #tpu.memory_space<vmem>>, vector<16xf32>,
        %add3A_551 = arith.addf %get3A_547, %get3A_550 : vector<16xf32>
        %mul3A_552 = arith.constant 64 : i32
        %mul3A_553 = arith.muli %scan3A_518, %mul3A_552 : i32
        %add3A_554 = arith.constant 32 : i32
        %add3A_555 = arith.addi %mul3A_553, %add3A_554 : i32
        %swap3A_556 = arith.index_cast %add3A_555 : i32 to index
        %swap3A_557 = tpu.vector_load %arg11[%swap3A_556] {strides = array<i32>} : memref<12800xf32, #tpu.memory_space<vmem>>, vector<16xf32>,
        tpu.vector_store %arg11[%swap3A_556], %add3A_551 {strides = array<i32>} : memref<12800xf32, #tpu.memory_space<vmem>>, vector<16xf32>,
        %get3A_558 = arith.index_cast %scan3A_518 : i32 to index
        %get3A_559 = arith.constant 48 : index
        %get3A_560 = tpu.vector_load %arg10[%get3A_558, %get3A_559] {strides = array<i32>} : memref<200x128xf32, #tpu.memory_space<vmem>>, vector<16xf32>,
        %get3A_561 = arith.index_cast %scan3A_518 : i32 to index
        %get3A_562 = arith.constant 48 : index
        %get3A_563 = tpu.vector_load %arg12[%get3A_561, %get3A_562] {strides = array<i32>} : memref<200x64xf32, #tpu.memory_space<vmem>>, vector<16xf32>,
        %add3A_564 = arith.addf %get3A_560, %get3A_563 : vector<16xf32>
        %mul3A_565 = arith.constant 64 : i32
        %mul3A_566 = arith.muli %scan3A_518, %mul3A_565 : i32
        %add3A_567 = arith.constant 48 : i32
        %add3A_568 = arith.addi %mul3A_566, %add3A_567 : i32
        %swap3A_569 = arith.index_cast %add3A_568 : i32 to index
        %swap3A_570 = tpu.vector_load %arg11[%swap3A_569] {strides = array<i32>} : memref<12800xf32, #tpu.memory_space<vmem>>, vector<16xf32>,
        tpu.vector_store %arg11[%swap3A_569], %add3A_564 {strides = array<i32>} : memref<12800xf32, #tpu.memory_space<vmem>>, vector<16xf32>,
      }
      %scan3A_105 = arith.constant 200 : i32
      %add3A_106 = arith.addi %multiple_of3A, %add3A_11 : i32
      %add3A_107 = arith.constant 1 : i32
      %add3A_108 = arith.addi %add3A_106, %add3A_107 : i32
      %dma_start3A_109 = arith.constant 1 : i32
      %dma_start3A_110 = arith.constant 0 : i32
      %dma_start3A_111 = tpu.memref_slice %arg5[%add3A_108, %dma_start3A_110] : memref<4096x12800xf32, #tpu.memory_space<hbm>> -> memref<1x12800xf32, #tpu.memory_space<hbm>>
      %dma_start3A_112 = tpu.memref_squeeze %dma_start3A_111 : memref<1x12800xf32, #tpu.memory_space<hbm>> -> memref<12800xf32, #tpu.memory_space<hbm>>
      %dma_start3A_113 = tpu.memref_slice %arg15[%dma_start3A_109] : memref<2x!tpu.dma_semaphore, #tpu.memory_space<semaphore_mem>> -> memref<1x!tpu.dma_semaphore, #tpu.memory_space<semaphore_mem>>
      %dma_start3A_114 = tpu.memref_squeeze %dma_start3A_113 : memref<1x!tpu.dma_semaphore, #tpu.memory_space<semaphore_mem>> -> memref<!tpu.dma_semaphore, #tpu.memory_space<semaphore_mem>>
      %dma_start3A_115 = arith.constant 0 : i32
      %dma_start3A_116 = tpu.memref_slice %arg5[%add3A_108, %dma_start3A_115] : memref<4096x12800xf32, #tpu.memory_space<hbm>> -> memref<1x12800xf32, #tpu.memory_space<hbm>>
      %dma_start3A_117 = tpu.memref_squeeze %dma_start3A_116 : memref<1x12800xf32, #tpu.memory_space<hbm>> -> memref<12800xf32, #tpu.memory_space<hbm>>
      tpu.enqueue_dma source(%arg11 : memref<12800xf32, #tpu.memory_space<vmem>>) target(%dma_start3A_117 : memref<12800xf32, #tpu.memory_space<hbm>>) target_semaphore(%dma_start3A_114 : memref<!tpu.dma_semaphore, #tpu.memory_space<semaphore_mem>>)
      %add3A_118 = arith.addi %multiple_of3A, %add3A_11 : i32
      %add3A_119 = arith.constant 0 : i32
      %add3A_120 = arith.addi %add3A_118, %add3A_119 : i32
      %dma_wait3A_121 = arith.constant 0 : i32
      %dma_wait3A_122 = arith.constant 0 : i32
      %dma_wait3A_123 = tpu.memref_slice %arg5[%add3A_120, %dma_wait3A_122] : memref<4096x12800xf32, #tpu.memory_space<hbm>> -> memref<1x12800xf32, #tpu.memory_space<hbm>>
      %dma_wait3A_124 = tpu.memref_squeeze %dma_wait3A_123 : memref<1x12800xf32, #tpu.memory_space<hbm>> -> memref<12800xf32, #tpu.memory_space<hbm>>
      %dma_wait3A_125 = tpu.memref_slice %arg15[%dma_wait3A_121] : memref<2x!tpu.dma_semaphore, #tpu.memory_space<semaphore_mem>> -> memref<1x!tpu.dma_semaphore, #tpu.memory_space<semaphore_mem>>
      %dma_wait3A_126 = tpu.memref_squeeze %dma_wait3A_125 : memref<1x!tpu.dma_semaphore, #tpu.memory_space<semaphore_mem>> -> memref<!tpu.dma_semaphore, #tpu.memory_space<semaphore_mem>>
      %dma_wait3A_127 = arith.constant 0 : i32
      %dma_wait3A_128 = tpu.memref_slice %arg5[%add3A_120, %dma_wait3A_127] : memref<4096x12800xf32, #tpu.memory_space<hbm>> -> memref<1x12800xf32, #tpu.memory_space<hbm>>
      %dma_wait3A_129 = tpu.memref_squeeze %dma_wait3A_128 : memref<1x12800xf32, #tpu.memory_space<hbm>> -> memref<12800xf32, #tpu.memory_space<hbm>>
      tpu.wait_dma2 semaphore(%dma_wait3A_126 : memref<!tpu.dma_semaphore, #tpu.memory_space<semaphore_mem>>) src(%arg8 : memref<12800xf32, #tpu.memory_space<vmem>>) dst(%dma_wait3A_129 : memref<12800xf32, #tpu.memory_space<hbm>>)
      %add3A_130 = arith.addi %multiple_of3A, %add3A_11 : i32
      %add3A_131 = arith.constant 1 : i32
      %add3A_132 = arith.addi %add3A_130, %add3A_131 : i32
      %dma_wait3A_133 = arith.constant 1 : i32
      %dma_wait3A_134 = arith.constant 0 : i32
      %dma_wait3A_135 = tpu.memref_slice %arg5[%add3A_132, %dma_wait3A_134] : memref<4096x12800xf32, #tpu.memory_space<hbm>> -> memref<1x12800xf32, #tpu.memory_space<hbm>>
      %dma_wait3A_136 = tpu.memref_squeeze %dma_wait3A_135 : memref<1x12800xf32, #tpu.memory_space<hbm>> -> memref<12800xf32, #tpu.memory_space<hbm>>
      %dma_wait3A_137 = tpu.memref_slice %arg15[%dma_wait3A_133] : memref<2x!tpu.dma_semaphore, #tpu.memory_space<semaphore_mem>> -> memref<1x!tpu.dma_semaphore, #tpu.memory_space<semaphore_mem>>
      %dma_wait3A_138 = tpu.memref_squeeze %dma_wait3A_137 : memref<1x!tpu.dma_semaphore, #tpu.memory_space<semaphore_mem>> -> memref<!tpu.dma_semaphore, #tpu.memory_space<semaphore_mem>>
      %dma_wait3A_139 = arith.constant 0 : i32
      %dma_wait3A_140 = tpu.memref_slice %arg5[%add3A_132, %dma_wait3A_139] : memref<4096x12800xf32, #tpu.memory_space<hbm>> -> memref<1x12800xf32, #tpu.memory_space<hbm>>
      %dma_wait3A_141 = tpu.memref_squeeze %dma_wait3A_140 : memref<1x12800xf32, #tpu.memory_space<hbm>> -> memref<12800xf32, #tpu.memory_space<hbm>>
      tpu.wait_dma2 semaphore(%dma_wait3A_138 : memref<!tpu.dma_semaphore, #tpu.memory_space<semaphore_mem>>) src(%arg11 : memref<12800xf32, #tpu.memory_space<vmem>>) dst(%dma_wait3A_141 : memref<12800xf32, #tpu.memory_space<hbm>>)
    }
    %scan3A_6 = arith.constant 64 : i32
    return
  }
}

</mosaic_0001>

<sc_bundles>
// kernel: kernel.3.cloned.1.call-start
scs
__scs_entry_jumppad:
0x0: {  	(pc) =	sbr.rel $0x88, $3  }
0x1: {  	(tag) =	ssettag $0x0;
	lr =	simm.s32 $0x1  }
0x2: {  	[smem:$0x3F9E] =	sst lr;
	_ =	strace $0xD0000000  }
0x3: {  	_ = 	snop  }
0x4: {  	_ = 	snop  }
0x5: {  	_ = 	snop  }
0x6: {  	_ = 	snop  }
0x7: {  	_ = 	snop  }
__scs_overlays_trampoline_lowered:
0x8: {  	[smem:$0x3FAD] =	sst s0  }
0x9: {  	[smem:$0x3FAE] =	sst s1  }
0xa: {  	[smem:$0x3FAF] =	sst s2  }
0xb: {  	[smem:$0x3FB0] =	sst s3  }
0xc: {  	[smem:$0x3FB1] =	sst s4  }
0xd: {  	[smem:$0x3FB2] =	sst s5  }
0xe: {  	[smem:$0x3FB3] =	sst s6  }
0xf: {  	[smem:$0x3FB4] =	sst s7  }
0x10: {  	[smem:$0x3FB5] =	sst s8  }
0x11: {  	[smem:$0x3FB6] =	sst s9;
	s0 =	simm.s32 @!p0 $0x0  }
0x12: {  	s1 =	sld [smem:$0x3F9C];
	s0 =	simm.s32 @p0 $0x1  }
0x13: {  	[smem:$0x3FB7] =	sst s0;
	s0 =	simm.s32 @!p1 $0x0  }
0x14: {  	s2 =	sld [smem:$0x3F9B];
	s0 =	simm.s32 @p1 $0x1  }
0x15: {  	[smem:$0x3FB8] =	sst s0;
	s0 =	simm.s32 @!p2 $0x0  }
0x16: {  	s3 =	sld [smem:$0x3FDB];
	s0 =	simm.s32 @p2 $0x1  }
0x17: {  	s4 =	simm.s32 $0x1BF5;
	[smem:$0x3FBA] =	sst s0  }
0x18: {  	s0 =	sld [smem:$0x3F9D];
	_ =	swait.ge [sflag:s4], $0x0  }
0x19: {  	s7 =	sld [smem:$0x3F9E]  }
0x1a: {  	s8 =	sadd.s32 $0xFFFFE003, lr  }
0x1b: {  	s9 =	sadd.s32 $0xFFFFFEF7, lr;
	s5 =	simm.s32 $0xFFFFFFFF;
	p2 =	slt.u32 s8, $0xFFFFF086  }
0x1c: {  	p1 =	slt.u32 s9, $0xF7A;
	s5 =	simm.s32 @!p2 $0x0  }
0x1d: {  	s5 =	simm.s32 @p1 $0x1;
	p0 =	seq.s32 s7, s2  }
0x1e: {  	s7 =	smul.u32 @!p0 $0xF7A, s2;
	p2 =	seq.s32 @!p0 s5, $0x0  }
0x1f: {  	s9 =	smul.u32 $0xF7A, s1;
	s8 =	simm.s32 @!p0 $0x1BF5;
	p2 =	por !p2, p0  }
0x20: {  	[sflag:s8] =	ssyncset.s32 @!p0 $0xFFFFF086;
	s6 =	sadd.s32 @!p0 s3, s7;
	s7 =	simm.s32 @!p0 $0x108  }
0x21: {  	s3 =	sadd.s32 s3, s9;
	s6 =	sadd.s32 @!p0 $0x88, s6;
	s7 =	simm.s32 @p2 $0x1082  }
0x22: {  	[simem:s7], [sflag:s8] =	dma.local @!p0 [hbm:s6], $0xF7A  }
0x23: {  	s9 =	sor.u32 $0xD0000000, s2;
	s6 =	simm.s32 $0x108;
	_ =	swait.ge @!p0 [sflag:s8], $0x0  }
0x24: {  	s3 =	sadd.s32 $0x88, s3;
	s6 =	simm.s32 @!p1 $0x1082;
	[sflag:s4] =	ssyncset.s32 $0xFFFFF086  }
0x25: {  	[simem:s6], [sflag:s4] =	dma.local [hbm:s3], $0xF7A  }
0x26: {  	[smem:$0x3F9E] =	sst s1;
	(tag) =	ssettag s2;
	_ =	strace s9  }
0x27: {  	s1 =	sld [smem:$0x3FAE]  }
0x28: {  	s2 =	sld [smem:$0x3FAF]  }
0x29: {  	s4 =	sld [smem:$0x3FB1]  }
0x2a: {  	p0 =	seq.s32 s5, $0x0;
	s5 =	sld [smem:$0x3FB2]  }
0x2b: {  	s6 =	sld [smem:$0x3FB3]  }
0x2c: {  	s7 =	sld [smem:$0x3FB4]  }
0x2d: {  	s3 =	simm.s32 $0x108;
	s8 =	sld [smem:$0x3FB5]  }
0x2e: {  	s3 =	simm.s32 @!p0 $0x1082;
	s9 =	sld [smem:$0x3FB6]  }
0x2f: {  	lr =	sadd.s32 s0, s3;
	s0 =	sld [smem:$0x3FAD]  }
0x30: {  	s3 =	sld [smem:$0x3FB0]  }
0x31: {  	[smem:$0x3FB9] =	sst s10  }
0x32: {  	s10 =	sld [smem:$0x3FB7];
	_ =	sdelay $0x3  }
0x33: {  	p0 =	seq.s32 s10, $0x1;
	s10 =	sld [smem:$0x3FB9];
	_ =	sdelay $0x3  }
0x34: {  	[smem:$0x3FB9] =	sst s10  }
0x35: {  	s10 =	sld [smem:$0x3FB8];
	_ =	sdelay $0x3  }
0x36: {  	p1 =	seq.s32 s10, $0x1;
	s10 =	sld [smem:$0x3FB9];
	_ =	sdelay $0x3  }
0x37: {  	[smem:$0x3FB9] =	sst s10  }
0x38: {  	s10 =	sld [smem:$0x3FBA]  }
0x39: {  	_ = 	snop;
	(pc) =	sbr.ind lr, $3  }
0x3a: {  	_ = 	snop  }
0x3b: {  	_ = 	snop  }
0x3c: {  	p2 =	seq.s32 s10, $0x1;
	s10 =	sld [smem:$0x3FB9]  }
0x3d: {  	_ =	shalt  }
0x3e: {  	_ =	shalt  }
0x3f: {  	_ =	shalt  }
0x40: {  	_ =	shalt  }
0x41: {  	_ =	shalt  }
0x42: {  	_ =	shalt  }
0x43: {  	_ =	shalt  }
0x44: {  	_ =	shalt  }
0x45: {  	_ =	shalt  }
0x46: {  	_ =	shalt  }
0x47: {  	_ =	shalt  }
0x48: {  	_ =	shalt  }
0x49: {  	_ =	shalt  }
0x4a: {  	_ =	shalt  }
0x4b: {  	_ =	shalt  }
0x4c: {  	_ =	shalt  }
0x4d: {  	_ =	shalt  }
0x4e: {  	_ =	shalt  }
0x4f: {  	_ =	shalt  }
0x50: {  	_ =	shalt  }
0x51: {  	_ =	shalt  }
0x52: {  	_ =	shalt  }
0x53: {  	_ =	shalt  }
0x54: {  	_ =	shalt  }
0x55: {  	_ =	shalt  }
0x56: {  	_ =	shalt  }
0x57: {  	_ =	shalt  }
0x58: {  	_ =	shalt  }
0x59: {  	_ =	shalt  }
0x5a: {  	_ =	shalt  }
0x5b: {  	_ =	shalt  }
0x5c: {  	_ =	shalt  }
0x5d: {  	_ =	shalt  }
0x5e: {  	_ =	shalt  }
0x5f: {  	_ =	shalt  }
0x60: {  	_ =	shalt  }
0x61: {  	_ =	shalt  }
0x62: {  	_ =	shalt  }
0x63: {  	_ =	shalt  }
0x64: {  	_ =	shalt  }
0x65: {  	_ =	shalt  }
0x66: {  	_ =	shalt  }
0x67: {  	_ =	shalt  }
0x68: {  	_ =	shalt  }
0x69: {  	_ =	shalt  }
0x6a: {  	_ =	shalt  }
0x6b: {  	_ =	shalt  }
0x6c: {  	_ =	shalt  }
0x6d: {  	_ =	shalt  }
0x6e: {  	_ =	shalt  }
0x6f: {  	_ =	shalt  }
0x70: {  	_ =	shalt  }
0x71: {  	_ =	shalt  }
0x72: {  	_ =	shalt  }
0x73: {  	_ =	shalt  }
0x74: {  	_ =	shalt  }
0x75: {  	_ =	shalt  }
0x76: {  	_ =	shalt  }
0x77: {  	_ =	shalt  }
0x78: {  	_ =	shalt  }
0x79: {  	_ =	shalt  }
0x7a: {  	_ =	shalt  }
0x7b: {  	_ =	shalt  }
0x7c: {  	_ =	shalt  }
0x7d: {  	_ =	shalt  }
0x7e: {  	_ =	shalt  }
0x7f: {  	_ =	shalt  }
0x80: {  	_ =	shalt  }
0x81: {  	_ =	shalt  }
0x82: {  	_ =	shalt  }
0x83: {  	_ =	shalt  }
0x84: {  	_ =	shalt  }
0x85: {  	_ =	shalt  }
0x86: {  	_ =	shalt  }
0x87: {  	_ =	shalt  }
.Lfunc_end0:
.L_simem_size_0:
called_computation_lowered:
.L_overlay_start_0:
0x88: {  	s2 =	sld [smem:$0x3FD9]  }
0x89: {  	s3 =	sld [smem:$0x3FFE];
	_ =	sdelay $0x1  }
0x8a: {  	s1 =	srdreg.scid  }
0x8b: {  	s0 =	sand.u32 $0x1, s1  }
0x8c: {  	s17 =	sshll.u32 s0, $0xA;
	s2 =	sadd.s32 s3, s2  }
0x8d: {  	s2 =	sadd.s32 s2, s17  }
0x8e: {  	[smem:$0x3FC5] =	sst s2  }
0x8f: {  	_ = 	snop  }
0x90: {  	s2 =	sld [smem:$0x3FD0];
	(tm) =	ssettm $0x1  }
0x91: {  	s18 =	sld [smem:$0x3FFB];
	_ =	sdelay $0x3  }
0x92: {  	_ =	strace s18  }
0x93: {  	s3 =	sld [smem:$0x3FFC];
	_ =	sdelay $0x3  }
0x94: {  	_ =	strace s3  }
0x95: {  	s3 =	sld [smem:$0x3FFD];
	_ =	sdelay $0x3  }
0x96: {  	_ =	strace s3  }
0x97: {  	_ =	strace $0x8FFFFFFF  }
0x98: {  	s19 =	sld [smem:$0x3FDB];
	_ =	sdelay $0x1  }
0x99: {  	s4 =	simm.s32 $_scs_section_size  }
0x9a: {  	s5 =	simm.s32 $_size__tile_overlayer_lowered;
	s6 =	simm.s32 $_tile_overlayer_lowered  }
0x9b: {  	s22 =	simm.s32 $0x1BFF;
	s21 =	sshll.u32 s6, $0x1;
	s3 =	sadd.s32 s4, s19  }
0x9c: {  	s7 =	simm.s32 $0x0;
	s20 =	sshll.u32 s5, $0x1;
	s5 =	sadd.s32 s21, s3  }
0x9d: {  	[timem:s7], [sflag:s22] =	dma.local [hbm:s5], s20  }
0x9e: {  	_ =	swait.ge [sflag:s22], s20  }
0x9f: {  	s4 =	ssub.s32 $0x0, s20;
	[sflag:s22] =	ssyncset.done $0x0  }
0xa0: {  	[sflag:s22] =	ssyncadd.s32 s4;
	_ =	sdelay $0x1  }
0xa1: {  	s23 =	simm.s32 $0x1B8B  }
0xa2: {  	_ =	swait.ge [sflag:s23], $0x1  }
0xa3: {  	[sflag:s23] =	ssyncset.done $0x0  }
0xa4: {  	s25 =	simm.s32 $0x1B8E;
	s24 =	sld [smem:$0x3FFE];
	[sflag:s23] =	ssyncadd.s32 $0xFFFFFFFF  }
0xa5: {  	s26 =	simm.s32 $execute0_lowered;
	[smem:$0x3FD2] =	sst s25  }
0xa6: {  	s5 =	sshll.u32 s26, $0x1;
	_ =	strace $0x80000046;
	[dreg:$0x1] =	wrdreg $0xFFFFFFFF  }
0xa7: {  	s28 =	simm.s32 $_size_execute0_lowered;
	s3 =	sadd.s32 s3, s5;
	[dreg:$0x0] =	wrdreg $0x0  }
0xa8: {  	s5 =	sshll.u32 s28, $0x1;
	[dreg:$0x2] =	wrdreg s3  }
0xa9: {  	[dreg:$0x3] =	wrdreg s5  }
0xaa: {  	[dreg:$0x4] =	wrdreg $0xC0  }
0xab: {  	_ =	task [dreg:s7], $0x5FFFF  }
0xac: {  	[dreg:$0x1] =	wrdreg $0xFFFFFFFF  }
0xad: {  	[dreg:$0x0] =	wrdreg $0x60  }
0xae: {  	[dreg:$0x2] =	wrdreg s2  }
0xaf: {  	[dreg:$0x3] =	wrdreg s24  }
0xb0: {  	[dreg:$0x4] =	wrdreg $0x9  }
0xb1: {  	_ =	task.clear_ibuf [dreg:s7], $0x5FFFF;
	_ =	strace $0x90000046  }
0xb2: {  	s29 =	simm.s32 $0x9;
	_ =	strace $0x80000048  }
0xb3: {  	_ =	swait.ge [sflag:s29], $0x1  }
0xb4: {  	[sflag:s29] =	ssyncadd.s32 $0xFFFFFFFF  }
0xb5: {  	_ =	strace $0x90000048  }
0xb6: {  	_ =	sfence  }
0xb7: {  	s30 =	sld [smem:$0x0];
	_ =	sdelay $0x2  }
0xb8: {  	s31 =	sshll.u32 s1, $0xD;
	s1 =	sshrl.u32 s1, $0x2  }
0xb9: {  	s3 =	sand.u32 $0x4000, s31;
	s1 =	sadd.s32 s1, s30  }
0xba: {  	s0 =	sor.u32 s3, s0;
	s1 =	sshll.u32 s1, $0x11  }
0xbb: {  	s0 =	sor.u32 s1, s0  }
0xbc: {  	s0 =	sadd.s32 $0x8F2B, s0  }
0xbd: {  	[sflag:s0] =	ssyncadd.remote.s32 $0x1  }
0xbe: {  	_ =	sfence.sel $0xFFFF  }
0xbf: {  	[dreg:$0x0] =	wrdreg $0xFFFFFFFF;
	(pc) =	sbr.abs _section_cstart, $3  }
0xc0: {  	[dreg:$0x1] =	wrdreg $0xFFFFFFFF  }
0xc1: {  	_ =	task.clear_ibuf [dreg:s7], $0x2FFFF;
	_ =	strace $0x9FFFFFFF  }
0xc2: {  	(tm) =	ssettm $0x7FFFFFFF  }
0xc3: {  	_ =	shalt  }
tec
execute0_lowered:
.L_overlay_start_1:
0x0: {  	(tag) =	ssettag $0x1  }
0x1: {  	s1 =	rddreg [dreg:$0x0]  }
0x2: {  	s0 =	rddreg [dreg:$0x1]  }
0x3: {  	s2 =	simm.s32 $0x0;
	s3 =	srdreg.scid;
	s6 =	stileid.u32  }
0x4: {  	s11 =	simm.s32 $0x80;
	s12 =	simm.s32 $0x400;
	s13 =	simm.s32 $0x9700  }
0x5: {  	s14 =	simm.s32 $0x1;
	s15 =	simm.s32 $0xC8;
	s17 =	simm.s32 $0x2  }
0x6: {  	s19 =	simm.s32 $0x3;
	s21 =	simm.s32 $0x4;
	s22 =	simm.s32 $0xFC00  }
0x7: {  	s23 =	simm.s32 $0x5;
	s24 =	simm.s32 $0x6;
	s3 =	sand.u32 $0x1, s3  }
0x8: {  	[smem:$0x7FF] =	sst s2;
	s4 =	sadd.s32 $0xF43A00, s0;
	s30 =	ssub.s32 $0x2, s3  }
0x9: {  	s5 =	sadd.s32 $0xF42C00, s0;
	s8 =	sshll.u32 s6, $0x8;
	s7 =	sshrl.u32 s30, $0x1  }
0xa: {  	s6 =	sadd.s32 $0x800, s0;
	_ =	strace $0x80000047;
	s31 =	ssub.s32 s30, s7  }
0xb: {  	[dreg:$0x3] =	wrdreg s5;
	s3 =	sshll.u32 s3, $0x7;
	s0 =	smax.u32 s31, $0x1  }
0xc: {  	s7 =	sor.u32 s3, s8;
	s3 =	simm.s32 $0x0;
	[dreg:$0x4] =	wrdreg s0  }
.LBB2_1:
0xd: {  	[dreg:$0x5] =	wrdreg s3  }
0xe: {  	s0 =	rddreg [dreg:$0x3];
	s30 =	simm.s32 $0x12E00;
	s31 =	simm.s32 $0x7  }
0xf: {  	[tilespmem:s30], [sflag:$0x7] =	stream.linear.gather [hbm4b:s0+s2], $0x6400, $0x38;
	[tilespmem:$0x19200] =	vst v63  }
0x10: {  	_ =	swait.ge [sflag:s31], $0x6400  }
0x11: {  	[sflag:s31] =	ssyncset.done $0x0  }
0x12: {  	s26 =	simm.s32 $0x0;
	[sflag:s31] =	ssyncadd.s32 $0xFFFF9C00  }
.LBB2_2:
0x13: {  	s0 =	sshll.u32 s26, $0x1  }
0x14: {  	s0 =	sadd.s32 s7, s0  }
0x15: {  	s10 =	sshll.u32 s26, $0x8;
	s29 =	sshrl.u32 s0, $0x3  }
0x16: {  	s30 =	sand.u32 $0x300, s10;
	s16 =	sshll.u32 s29, $0xB  }
0x17: {  	s28 =	sor.u32 $0x80, s30;
	s3 =	sor.u32 s30, s16  }
0x18: {  	s0 =	sor.u32 s28, s16;
	s3 =	sshrl.u32 s3, $0x3  }
0x19: {  	s0 =	sshrl.u32 s0, $0x3;
	s3 =	sadd.s32 s1, s3  }
0x1a: {  	[tilespmem:s2], [sflag:$0x1] =	stream.strided.gather [hbm4b:s3+s11], $0x100, s12, s11, $0x38;
	[tilespmem:$0x19200] =	vst v63  }
0x1b: {  	s0 =	sadd.s32 s1, s0  }
0x1c: {  	[tilespmem:s13], [sflag:$0x2] =	stream.strided.gather [hbm4b:s0+s11], $0x100, s12, s11, $0x38;
	[tilespmem:$0x19200] =	vst v63  }
0x1d: {  	_ =	swait.ge [sflag:s14], $0x100  }
0x1e: {  	[sflag:s14] =	ssyncset.done $0x0  }
0x1f: {  	s18 =	simm.s32 $0x100;
	[sflag:s14] =	ssyncadd.s32 $0xFFFFFF00  }
0x20: {  	[tilespmem:s18], [sflag:$0x3] =	stream.indirect.gather [hbm4b:s4+s15], $0x80, s2, s15, $0xb8;
	[tilespmem:$0x19200] =	vst v63  }
0x21: {  	_ =	swait.ge [sflag:s17], $0x100  }
0x22: {  	[sflag:s17] =	ssyncset.done $0x0  }
0x23: {  	s20 =	simm.s32 $0x9800;
	[sflag:s17] =	ssyncadd.s32 $0xFFFFFF00  }
0x24: {  	[tilespmem:s20], [sflag:$0x4] =	stream.indirect.gather [hbm4b:s4+s15], $0x80, s13, s15, $0xb8;
	[tilespmem:$0x19200] =	vst v63  }
0x25: {  	_ =	swait.ge [sflag:s19], $0x6400  }
0x26: {  	[sflag:s19] =	ssyncset.done $0x0  }
0x27: {  	s31 =	simm.s32 $0x300;
	[sflag:s19] =	ssyncadd.s32 $0xFFFF9C00  }
0x28: {  	s0 =	simm.s32 $0x13000;
	v0 =	vld [tilespmem:s31+$0xFFFFFE00]  }
0x29: {  	v1 =	vld [tilespmem:s0+$0xFFFFFE00];
	_ =	sdelay $0x4  }
0x2a: {  	v0 =	vadd.f32 v1, v0  }
0x2b: {  	s3 =	simm.s32 $0x6600  }
0x2c: {  	[tilespmem:s3+$0xFFFFFF00] =	vst v0  }
0x2d: {  	v0 =	vld [tilespmem:s0+$0xFFFFFE10]  }
0x2e: {  	v1 =	vld [tilespmem:s31+$0xFFFFFE10];
	_ =	sdelay $0x4  }
0x2f: {  	v0 =	vadd.f32 v0, v1;
	_ =	sdelay $0x1  }
0x30: {  	[tilespmem:s3+$0xFFFFFF10] =	vst v0  }
0x31: {  	v0 =	vld [tilespmem:s31+$0xFFFFFE20]  }
0x32: {  	v1 =	vld [tilespmem:s0+$0xFFFFFE20];
	_ =	sdelay $0x4  }
0x33: {  	v0 =	vadd.f32 v1, v0;
	_ =	sdelay $0x1  }
0x34: {  	[tilespmem:s3+$0xFFFFFF20] =	vst v0  }
0x35: {  	v0 =	vld [tilespmem:s31+$0xFFFFFE30]  }
0x36: {  	v1 =	vld [tilespmem:s0+$0xFFFFFE30];
	_ =	sdelay $0x4  }
0x37: {  	v0 =	vadd.f32 v1, v0;
	_ =	sdelay $0x1  }
0x38: {  	[tilespmem:s3+$0xFFFFFF30] =	vst v0  }
0x39: {  	v0 =	vld [tilespmem:s31+$0xFFFFFE80]  }
0x3a: {  	v1 =	vld [tilespmem:s0+$0xFFFFFE80];
	_ =	sdelay $0x4  }
0x3b: {  	v0 =	vadd.f32 v1, v0;
	_ =	sdelay $0x1  }
0x3c: {  	[tilespmem:s3+$0xFFFFFF40] =	vst v0  }
0x3d: {  	v0 =	vld [tilespmem:s31+$0xFFFFFE90]  }
0x3e: {  	v1 =	vld [tilespmem:s0+$0xFFFFFE90];
	_ =	sdelay $0x4  }
0x3f: {  	s5 =	simm.s32 $0x40;
	v0 =	vadd.f32 v1, v0  }
0x40: {  	s8 =	sor.u32 $0x50, s5  }
0x41: {  	[tilespmem:s8+$0x6500] =	vst v0  }
0x42: {  	v0 =	vld [tilespmem:s31+$0xFFFFFEA0]  }
0x43: {  	v1 =	vld [tilespmem:s0+$0xFFFFFEA0];
	_ =	sdelay $0x4  }
0x44: {  	v0 =	vadd.f32 v1, v0  }
0x45: {  	s25 =	sor.u32 $0x60, s5  }
0x46: {  	[tilespmem:s25+$0x6500] =	vst v0  }
0x47: {  	v0 =	vld [tilespmem:s31+$0xFFFFFEB0]  }
0x48: {  	v1 =	vld [tilespmem:s0+$0xFFFFFEB0];
	_ =	sdelay $0x4  }
0x49: {  	v0 =	vadd.f32 v1, v0  }
0x4a: {  	s5 =	sor.u32 $0x70, s5  }
0x4b: {  	[tilespmem:s5+$0x6500] =	vst v0  }
0x4c: {  	v0 =	vld [tilespmem:s31+$0xFFFFFF00]  }
0x4d: {  	v1 =	vld [tilespmem:s0+$0xFFFFFF00];
	_ =	sdelay $0x4  }
0x4e: {  	v0 =	vadd.f32 v1, v0;
	_ =	sdelay $0x1  }
0x4f: {  	[tilespmem:s3+$0xFFFFFF80] =	vst v0  }
0x50: {  	v0 =	vld [tilespmem:s31+$0xFFFFFF10]  }
0x51: {  	v1 =	vld [tilespmem:s0+$0xFFFFFF10];
	_ =	sdelay $0x4  }
0x52: {  	v0 =	vadd.f32 v1, v0;
	_ =	sdelay $0x1  }
0x53: {  	[tilespmem:s3+$0xFFFFFF90] =	vst v0  }
0x54: {  	v0 =	vld [tilespmem:s31+$0xFFFFFF20]  }
0x55: {  	v1 =	vld [tilespmem:s0+$0xFFFFFF20];
	_ =	sdelay $0x4  }
0x56: {  	v0 =	vadd.f32 v1, v0;
	_ =	sdelay $0x1  }
0x57: {  	[tilespmem:s3+$0xFFFFFFA0] =	vst v0  }
0x58: {  	v0 =	vld [tilespmem:s31+$0xFFFFFF30]  }
0x59: {  	v1 =	vld [tilespmem:s0+$0xFFFFFF30];
	_ =	sdelay $0x4  }
0x5a: {  	v0 =	vadd.f32 v1, v0;
	_ =	sdelay $0x1  }
0x5b: {  	[tilespmem:s3+$0xFFFFFFB0] =	vst v0  }
0x5c: {  	v0 =	vld [tilespmem:s31+$0xFFFFFF80]  }
0x5d: {  	v1 =	vld [tilespmem:s0+$0xFFFFFF80];
	_ =	sdelay $0x4  }
0x5e: {  	v0 =	vadd.f32 v1, v0;
	_ =	sdelay $0x1  }
0x5f: {  	[tilespmem:s3+$0xFFFFFFC0] =	vst v0  }
0x60: {  	v0 =	vld [tilespmem:s31+$0xFFFFFF90]  }
0x61: {  	v1 =	vld [tilespmem:s0+$0xFFFFFF90];
	_ =	sdelay $0x4  }
0x62: {  	s9 =	simm.s32 $0xC0;
	v0 =	vadd.f32 v1, v0  }
0x63: {  	s10 =	sor.u32 $0x50, s9  }
0x64: {  	[tilespmem:s10+$0x6500] =	vst v0  }
0x65: {  	v0 =	vld [tilespmem:s31+$0xFFFFFFA0]  }
0x66: {  	v1 =	vld [tilespmem:s0+$0xFFFFFFA0];
	_ =	sdelay $0x4  }
0x67: {  	v0 =	vadd.f32 v1, v0  }
0x68: {  	s16 =	sor.u32 $0x60, s9  }
0x69: {  	[tilespmem:s16+$0x6500] =	vst v0  }
0x6a: {  	v0 =	vld [tilespmem:s31+$0xFFFFFFB0]  }
0x6b: {  	v1 =	vld [tilespmem:s0+$0xFFFFFFB0];
	_ =	sdelay $0x4  }
0x6c: {  	v0 =	vadd.f32 v1, v0  }
0x6d: {  	s5 =	sor.u32 $0x70, s9  }
0x6e: {  	[tilespmem:s5+$0x6500] =	vst v0  }
0x6f: {  	v0 =	vld [tilespmem:s31+$0x0]  }
0x70: {  	v1 =	vld [tilespmem:s0+$0x0];
	_ =	sdelay $0x4  }
0x71: {  	v0 =	vadd.f32 v1, v0;
	_ =	sdelay $0x1  }
0x72: {  	[tilespmem:s3+$0x0] =	vst v0  }
0x73: {  	v0 =	vld [tilespmem:s31+$0x10]  }
0x74: {  	v1 =	vld [tilespmem:s0+$0x10];
	_ =	sdelay $0x4  }
0x75: {  	v0 =	vadd.f32 v1, v0;
	_ =	sdelay $0x1  }
0x76: {  	[tilespmem:s3+$0x10] =	vst v0  }
0x77: {  	v0 =	vld [tilespmem:s31+$0x20]  }
0x78: {  	v1 =	vld [tilespmem:s0+$0x20];
	_ =	sdelay $0x4  }
0x79: {  	v0 =	vadd.f32 v1, v0;
	_ =	sdelay $0x1  }
0x7a: {  	[tilespmem:s3+$0x20] =	vst v0  }
0x7b: {  	v0 =	vld [tilespmem:s31+$0x30]  }
0x7c: {  	v1 =	vld [tilespmem:s0+$0x30];
	_ =	sdelay $0x4  }
0x7d: {  	v0 =	vadd.f32 v1, v0;
	_ =	sdelay $0x1  }
0x7e: {  	[tilespmem:s3+$0x30] =	vst v0  }
0x7f: {  	v0 =	vld [tilespmem:s31+$0x80]  }
0x80: {  	v1 =	vld [tilespmem:s0+$0x80];
	_ =	sdelay $0x4  }
0x81: {  	v0 =	vadd.f32 v1, v0;
	_ =	sdelay $0x1  }
0x82: {  	[tilespmem:s3+$0x40] =	vst v0  }
0x83: {  	v0 =	vld [tilespmem:s31+$0x90]  }
0x84: {  	v1 =	vld [tilespmem:s0+$0x90];
	_ =	sdelay $0x4  }
0x85: {  	s18 =	simm.s32 $0x140;
	v0 =	vadd.f32 v1, v0  }
0x86: {  	s20 =	sor.u32 $0x50, s18  }
0x87: {  	[tilespmem:s20+$0x6500] =	vst v0  }
0x88: {  	v0 =	vld [tilespmem:s31+$0xA0]  }
0x89: {  	v1 =	vld [tilespmem:s0+$0xA0];
	_ =	sdelay $0x4  }
0x8a: {  	v0 =	vadd.f32 v1, v0  }
0x8b: {  	s25 =	sor.u32 $0x60, s18  }
0x8c: {  	[tilespmem:s25+$0x6500] =	vst v0  }
0x8d: {  	v0 =	vld [tilespmem:s31+$0xB0]  }
0x8e: {  	v1 =	vld [tilespmem:s0+$0xB0];
	_ =	sdelay $0x4  }
0x8f: {  	v0 =	vadd.f32 v1, v0  }
0x90: {  	s5 =	sor.u32 $0x70, s18  }
0x91: {  	[tilespmem:s5+$0x6500] =	vst v0  }
0x92: {  	v0 =	vld [tilespmem:s31+$0x100]  }
0x93: {  	v1 =	vld [tilespmem:s0+$0x100];
	_ =	sdelay $0x4  }
0x94: {  	v0 =	vadd.f32 v1, v0;
	_ =	sdelay $0x1  }
0x95: {  	[tilespmem:s3+$0x80] =	vst v0  }
0x96: {  	v0 =	vld [tilespmem:s31+$0x110]  }
0x97: {  	v1 =	vld [tilespmem:s0+$0x110];
	_ =	sdelay $0x4  }
0x98: {  	v0 =	vadd.f32 v1, v0;
	_ =	sdelay $0x1  }
0x99: {  	[tilespmem:s3+$0x90] =	vst v0  }
0x9a: {  	v0 =	vld [tilespmem:s31+$0x120]  }
0x9b: {  	v1 =	vld [tilespmem:s0+$0x120];
	_ =	sdelay $0x4  }
0x9c: {  	v0 =	vadd.f32 v1, v0;
	_ =	sdelay $0x1  }
0x9d: {  	[tilespmem:s3+$0xA0] =	vst v0  }
0x9e: {  	v0 =	vld [tilespmem:s31+$0x130]  }
0x9f: {  	v1 =	vld [tilespmem:s0+$0x130];
	_ =	sdelay $0x4  }
0xa0: {  	v0 =	vadd.f32 v1, v0;
	_ =	sdelay $0x1  }
0xa1: {  	[tilespmem:s3+$0xB0] =	vst v0  }
0xa2: {  	v0 =	vld [tilespmem:s31+$0x180]  }
0xa3: {  	s8 =	simm.s32 $0x0;
	s9 =	simm.s32 $0x13000;
	v1 =	vld [tilespmem:s0+$0x180]  }
0xa4: {  	s10 =	simm.s32 $0x700;
	s25 =	simm.s32 $0x6800;
	s5 =	simm.s32 $0x1C0  }
0xa5: {  	s20 =	sor.u32 $0x50, s5;
	s18 =	sor.u32 $0x60, s5;
	s16 =	sor.u32 $0x70, s5  }
.LBB2_3:
0xa6: {  	s8 =	sadd.s32 $0x8, s8;
	s5 =	sadd.s32 $0x200, s5;
	s0 =	sadd.s32 $0x400, s0  }
0xa7: {  	p0 =	slt.u32 s8, $0xC0  }
0xa8: {  	v0 =	vadd.f32 v1, v0;
	_ =	sdelay $0x1  }
0xa9: {  	[tilespmem:s3+$0xC0] =	vst v0;
	s3 =	smov.u32 s25  }
0xaa: {  	v0 =	vld [tilespmem:s31+$0x190]  }
0xab: {  	v1 =	vld [tilespmem:s9+$0x190];
	_ =	sdelay $0x4  }
0xac: {  	v0 =	vadd.f32 v1, v0;
	_ =	sdelay $0x1  }
0xad: {  	[tilespmem:s20+$0x6500] =	vst v0  }
0xae: {  	v0 =	vld [tilespmem:s31+$0x1A0]  }
0xaf: {  	v1 =	vld [tilespmem:s9+$0x1A0];
	_ =	sdelay $0x4  }
0xb0: {  	v0 =	vadd.f32 v1, v0;
	_ =	sdelay $0x1  }
0xb1: {  	[tilespmem:s18+$0x6500] =	vst v0  }
0xb2: {  	v0 =	vld [tilespmem:s31+$0x1B0];
	s31 =	smov.u32 s10  }
0xb3: {  	v1 =	vld [tilespmem:s9+$0x1B0];
	s9 =	smov.u32 s0;
	_ =	sdelay $0x4  }
0xb4: {  	v0 =	vadd.f32 v1, v0;
	_ =	sdelay $0x1  }
0xb5: {  	[tilespmem:s16+$0x6500] =	vst v0  }
0xb6: {  	v0 =	vld [tilespmem:s10+$0xFFFFFE00]  }
0xb7: {  	v1 =	vld [tilespmem:s0+$0xFFFFFE00];
	_ =	sdelay $0x4  }
0xb8: {  	v0 =	vadd.f32 v1, v0;
	_ =	sdelay $0x1  }
0xb9: {  	[tilespmem:s25+$0xFFFFFF00] =	vst v0  }
0xba: {  	v0 =	vld [tilespmem:s0+$0xFFFFFE10]  }
0xbb: {  	v1 =	vld [tilespmem:s10+$0xFFFFFE10];
	_ =	sdelay $0x4  }
0xbc: {  	v0 =	vadd.f32 v0, v1;
	_ =	sdelay $0x1  }
0xbd: {  	[tilespmem:s25+$0xFFFFFF10] =	vst v0  }
0xbe: {  	v0 =	vld [tilespmem:s10+$0xFFFFFE20]  }
0xbf: {  	v1 =	vld [tilespmem:s0+$0xFFFFFE20];
	_ =	sdelay $0x4  }
0xc0: {  	v0 =	vadd.f32 v1, v0;
	_ =	sdelay $0x1  }
0xc1: {  	[tilespmem:s25+$0xFFFFFF20] =	vst v0  }
0xc2: {  	v0 =	vld [tilespmem:s10+$0xFFFFFE30]  }
0xc3: {  	v1 =	vld [tilespmem:s0+$0xFFFFFE30];
	_ =	sdelay $0x4  }
0xc4: {  	v0 =	vadd.f32 v1, v0;
	_ =	sdelay $0x1  }
0xc5: {  	[tilespmem:s25+$0xFFFFFF30] =	vst v0  }
0xc6: {  	v0 =	vld [tilespmem:s10+$0xFFFFFE80]  }
0xc7: {  	v1 =	vld [tilespmem:s0+$0xFFFFFE80];
	_ =	sdelay $0x4  }
0xc8: {  	v0 =	vadd.f32 v1, v0;
	_ =	sdelay $0x1  }
0xc9: {  	[tilespmem:s25+$0xFFFFFF40] =	vst v0  }
0xca: {  	v0 =	vld [tilespmem:s10+$0xFFFFFE90]  }
0xcb: {  	s16 =	sadd.s32 $0xFFFFFE80, s5;
	v1 =	vld [tilespmem:s0+$0xFFFFFE90]  }
0xcc: {  	s18 =	sor.u32 $0x50, s16;
	_ =	sdelay $0x3  }
0xcd: {  	v0 =	vadd.f32 v1, v0;
	_ =	sdelay $0x1  }
0xce: {  	[tilespmem:s18+$0x6500] =	vst v0  }
0xcf: {  	v0 =	vld [tilespmem:s10+$0xFFFFFEA0]  }
0xd0: {  	s18 =	sor.u32 $0x60, s16;
	v1 =	vld [tilespmem:s0+$0xFFFFFEA0];
	_ =	sdelay $0x4  }
0xd1: {  	v0 =	vadd.f32 v1, v0;
	_ =	sdelay $0x1  }
0xd2: {  	[tilespmem:s18+$0x6500] =	vst v0  }
0xd3: {  	s16 =	sor.u32 $0x70, s16;
	v0 =	vld [tilespmem:s10+$0xFFFFFEB0]  }
0xd4: {  	v1 =	vld [tilespmem:s0+$0xFFFFFEB0];
	_ =	sdelay $0x4  }
0xd5: {  	v0 =	vadd.f32 v1, v0;
	_ =	sdelay $0x1  }
0xd6: {  	[tilespmem:s16+$0x6500] =	vst v0  }
0xd7: {  	v0 =	vld [tilespmem:s10+$0xFFFFFF00]  }
0xd8: {  	v1 =	vld [tilespmem:s0+$0xFFFFFF00];
	_ =	sdelay $0x4  }
0xd9: {  	v0 =	vadd.f32 v1, v0;
	_ =	sdelay $0x1  }
0xda: {  	[tilespmem:s25+$0xFFFFFF80] =	vst v0  }
0xdb: {  	v0 =	vld [tilespmem:s10+$0xFFFFFF10]  }
0xdc: {  	v1 =	vld [tilespmem:s0+$0xFFFFFF10];
	_ =	sdelay $0x4  }
0xdd: {  	v0 =	vadd.f32 v1, v0;
	_ =	sdelay $0x1  }
0xde: {  	[tilespmem:s25+$0xFFFFFF90] =	vst v0  }
0xdf: {  	v0 =	vld [tilespmem:s10+$0xFFFFFF20]  }
0xe0: {  	v1 =	vld [tilespmem:s0+$0xFFFFFF20];
	_ =	sdelay $0x4  }
0xe1: {  	v0 =	vadd.f32 v1, v0;
	_ =	sdelay $0x1  }
0xe2: {  	[tilespmem:s25+$0xFFFFFFA0] =	vst v0  }
0xe3: {  	v0 =	vld [tilespmem:s10+$0xFFFFFF30]  }
0xe4: {  	v1 =	vld [tilespmem:s0+$0xFFFFFF30];
	_ =	sdelay $0x4  }
0xe5: {  	v0 =	vadd.f32 v1, v0;
	_ =	sdelay $0x1  }
0xe6: {  	[tilespmem:s25+$0xFFFFFFB0] =	vst v0  }
0xe7: {  	v0 =	vld [tilespmem:s10+$0xFFFFFF80]  }
0xe8: {  	v1 =	vld [tilespmem:s0+$0xFFFFFF80]  }
0xe9: {  	s16 =	sadd.s32 $0xFFFFFF00, s5  }
0xea: {  	s18 =	sor.u32 $0x50, s16;
	_ =	sdelay $0x2  }
0xeb: {  	v0 =	vadd.f32 v1, v0;
	_ =	sdelay $0x1  }
0xec: {  	[tilespmem:s25+$0xFFFFFFC0] =	vst v0  }
0xed: {  	v0 =	vld [tilespmem:s10+$0xFFFFFF90]  }
0xee: {  	v1 =	vld [tilespmem:s0+$0xFFFFFF90]  }
0xef: {  	s20 =	sor.u32 $0x60, s16;
	_ =	sdelay $0x3  }
0xf0: {  	v0 =	vadd.f32 v1, v0;
	_ =	sdelay $0x1  }
0xf1: {  	[tilespmem:s18+$0x6500] =	vst v0  }
0xf2: {  	v0 =	vld [tilespmem:s10+$0xFFFFFFA0]  }
0xf3: {  	s16 =	sor.u32 $0x70, s16;
	v1 =	vld [tilespmem:s0+$0xFFFFFFA0];
	_ =	sdelay $0x4  }
0xf4: {  	v0 =	vadd.f32 v1, v0;
	_ =	sdelay $0x1  }
0xf5: {  	[tilespmem:s20+$0x6500] =	vst v0  }
0xf6: {  	v0 =	vld [tilespmem:s10+$0xFFFFFFB0]  }
0xf7: {  	v1 =	vld [tilespmem:s0+$0xFFFFFFB0];
	_ =	sdelay $0x4  }
0xf8: {  	v0 =	vadd.f32 v1, v0;
	_ =	sdelay $0x1  }
0xf9: {  	[tilespmem:s16+$0x6500] =	vst v0  }
0xfa: {  	v0 =	vld [tilespmem:s10+$0x0]  }
0xfb: {  	v1 =	vld [tilespmem:s0+$0x0];
	_ =	sdelay $0x4  }
0xfc: {  	v0 =	vadd.f32 v1, v0;
	_ =	sdelay $0x1  }
0xfd: {  	[tilespmem:s25+$0x0] =	vst v0  }
0xfe: {  	v0 =	vld [tilespmem:s10+$0x10]  }
0xff: {  	v1 =	vld [tilespmem:s0+$0x10];
	_ =	sdelay $0x4  }
0x100: {  	v0 =	vadd.f32 v1, v0;
	_ =	sdelay $0x1  }
0x101: {  	[tilespmem:s25+$0x10] =	vst v0  }
0x102: {  	v0 =	vld [tilespmem:s10+$0x20]  }
0x103: {  	v1 =	vld [tilespmem:s0+$0x20];
	_ =	sdelay $0x4  }
0x104: {  	v0 =	vadd.f32 v1, v0;
	_ =	sdelay $0x1  }
0x105: {  	[tilespmem:s25+$0x20] =	vst v0  }
0x106: {  	v0 =	vld [tilespmem:s10+$0x30]  }
0x107: {  	v1 =	vld [tilespmem:s0+$0x30];
	_ =	sdelay $0x1  }
0x108: {  	s16 =	sadd.s32 $0xFFFFFF80, s5  }
0x109: {  	s18 =	sor.u32 $0x50, s16;
	_ =	sdelay $0x1  }
0x10a: {  	v0 =	vadd.f32 v1, v0;
	_ =	sdelay $0x1  }
0x10b: {  	[tilespmem:s25+$0x30] =	vst v0  }
0x10c: {  	v0 =	vld [tilespmem:s10+$0x80]  }
0x10d: {  	v1 =	vld [tilespmem:s0+$0x80];
	_ =	sdelay $0x1  }
0x10e: {  	s20 =	sor.u32 $0x60, s16;
	_ =	sdelay $0x2  }
0x10f: {  	v0 =	vadd.f32 v1, v0;
	_ =	sdelay $0x1  }
0x110: {  	[tilespmem:s25+$0x40] =	vst v0  }
0x111: {  	v0 =	vld [tilespmem:s10+$0x90]  }
0x112: {  	v1 =	vld [tilespmem:s0+$0x90]  }
0x113: {  	s16 =	sor.u32 $0x70, s16;
	_ =	sdelay $0x3  }
0x114: {  	v0 =	vadd.f32 v1, v0;
	_ =	sdelay $0x1  }
0x115: {  	[tilespmem:s18+$0x6500] =	vst v0  }
0x116: {  	v0 =	vld [tilespmem:s10+$0xA0]  }
0x117: {  	v1 =	vld [tilespmem:s0+$0xA0];
	_ =	sdelay $0x4  }
0x118: {  	v0 =	vadd.f32 v1, v0;
	_ =	sdelay $0x1  }
0x119: {  	[tilespmem:s20+$0x6500] =	vst v0  }
0x11a: {  	v0 =	vld [tilespmem:s10+$0xB0]  }
0x11b: {  	v1 =	vld [tilespmem:s0+$0xB0];
	_ =	sdelay $0x4  }
0x11c: {  	v0 =	vadd.f32 v1, v0;
	_ =	sdelay $0x1  }
0x11d: {  	[tilespmem:s16+$0x6500] =	vst v0  }
0x11e: {  	v0 =	vld [tilespmem:s10+$0x100]  }
0x11f: {  	v1 =	vld [tilespmem:s0+$0x100];
	_ =	sdelay $0x4  }
0x120: {  	v0 =	vadd.f32 v1, v0;
	_ =	sdelay $0x1  }
0x121: {  	[tilespmem:s25+$0x80] =	vst v0  }
0x122: {  	v0 =	vld [tilespmem:s10+$0x110]  }
0x123: {  	v1 =	vld [tilespmem:s0+$0x110];
	_ =	sdelay $0x4  }
0x124: {  	v0 =	vadd.f32 v1, v0;
	_ =	sdelay $0x1  }
0x125: {  	[tilespmem:s25+$0x90] =	vst v0  }
0x126: {  	v0 =	vld [tilespmem:s10+$0x120]  }
0x127: {  	v1 =	vld [tilespmem:s0+$0x120];
	_ =	sdelay $0x3  }
0x128: {  	s20 =	sor.u32 $0x50, s5  }
0x129: {  	v0 =	vadd.f32 v1, v0;
	_ =	sdelay $0x1  }
0x12a: {  	[tilespmem:s25+$0xA0] =	vst v0  }
0x12b: {  	v0 =	vld [tilespmem:s10+$0x130]  }
0x12c: {  	v1 =	vld [tilespmem:s0+$0x130];
	_ =	sdelay $0x2  }
0x12d: {  	s18 =	sor.u32 $0x60, s5;
	_ =	sdelay $0x1  }
0x12e: {  	v0 =	vadd.f32 v1, v0;
	_ =	sdelay $0x1  }
.Ltmp0:
0x12f: {  	[tilespmem:s25+$0xB0] =	vst v0;
	(pc) =	sbr.rel @p0 .LBB2_3-.Ltmp0, $3  }
0x130: {  	v0 =	vld [tilespmem:s10+$0x180]  }
0x131: {  	v1 =	vld [tilespmem:s0+$0x180];
	_ =	sdelay $0x1  }
0x132: {  	s16 =	sor.u32 $0x70, s5;
	s25 =	sadd.s32 $0x200, s25;
	s10 =	sadd.s32 $0x400, s10  }
0x133: {  	_ =	sdelay $0x1  }
0x134: {  	v0 =	vadd.f32 v1, v0;
	_ =	sdelay $0x1  }
0x135: {  	[tilespmem:s3+$0xC0] =	vst v0  }
0x136: {  	v0 =	vld [tilespmem:s31+$0x190]  }
0x137: {  	v1 =	vld [tilespmem:s9+$0x190];
	_ =	sdelay $0x4  }
0x138: {  	v0 =	vadd.f32 v1, v0;
	_ =	sdelay $0x1  }
0x139: {  	[tilespmem:s20+$0x6500] =	vst v0  }
0x13a: {  	v0 =	vld [tilespmem:s31+$0x1A0]  }
0x13b: {  	v1 =	vld [tilespmem:s9+$0x1A0];
	_ =	sdelay $0x4  }
0x13c: {  	v0 =	vadd.f32 v1, v0;
	_ =	sdelay $0x1  }
0x13d: {  	[tilespmem:s18+$0x6500] =	vst v0  }
0x13e: {  	v0 =	vld [tilespmem:s31+$0x1B0]  }
0x13f: {  	v1 =	vld [tilespmem:s9+$0x1B0];
	_ =	sdelay $0x2  }
0x140: {  	s29 =	smul.u32 $0x19000, s29;
	_ =	sdelay $0x1  }
0x141: {  	s0 =	sor.u32 s30, s29;
	v0 =	vadd.f32 v1, v0  }
0x142: {  	s0 =	sshrl.u32 s0, $0x3  }
0x143: {  	s8 =	simm.s32 $0x6500;
	s0 =	sadd.s32 s6, s0;
	[tilespmem:s16+$0x6500] =	vst v0  }
0x144: {  	[hbm4b:s0+s11] =	stream.strided.scatter [tilespmem:s8], [sflag:$0x5], $0x3200, s12, s11, $0x38;
	[tilespmem:$0x19200] =	vst v63  }
0x145: {  	_ =	swait.ge [sflag:s21], $0x6400  }
0x146: {  	[sflag:s21] =	ssyncset.done $0x0  }
0x147: {  	s30 =	simm.s32 $0x9A00;
	[sflag:s21] =	ssyncadd.s32 $0xFFFF9C00  }
0x148: {  	s0 =	simm.s32 $0x13000;
	v0 =	vld [tilespmem:s30+$0xFFFFFE00]  }
0x149: {  	v1 =	vld [tilespmem:s0+$0xFFFFFE00];
	_ =	sdelay $0x4  }
0x14a: {  	v0 =	vadd.f32 v1, v0  }
0x14b: {  	s3 =	simm.s32 $0xFD00  }
0x14c: {  	[tilespmem:s3+$0xFFFFFF00] =	vst v0  }
0x14d: {  	v0 =	vld [tilespmem:s0+$0xFFFFFE10]  }
0x14e: {  	v1 =	vld [tilespmem:s30+$0xFFFFFE10];
	_ =	sdelay $0x4  }
0x14f: {  	v0 =	vadd.f32 v0, v1;
	_ =	sdelay $0x1  }
0x150: {  	[tilespmem:s3+$0xFFFFFF10] =	vst v0  }
0x151: {  	v0 =	vld [tilespmem:s30+$0xFFFFFE20]  }
0x152: {  	v1 =	vld [tilespmem:s0+$0xFFFFFE20];
	_ =	sdelay $0x4  }
0x153: {  	v0 =	vadd.f32 v1, v0;
	_ =	sdelay $0x1  }
0x154: {  	[tilespmem:s3+$0xFFFFFF20] =	vst v0  }
0x155: {  	v0 =	vld [tilespmem:s30+$0xFFFFFE30]  }
0x156: {  	v1 =	vld [tilespmem:s0+$0xFFFFFE30];
	_ =	sdelay $0x4  }
0x157: {  	v0 =	vadd.f32 v1, v0;
	_ =	sdelay $0x1  }
0x158: {  	[tilespmem:s3+$0xFFFFFF30] =	vst v0  }
0x159: {  	v0 =	vld [tilespmem:s30+$0xFFFFFE80]  }
0x15a: {  	v1 =	vld [tilespmem:s0+$0xFFFFFE80];
	_ =	sdelay $0x4  }
0x15b: {  	v0 =	vadd.f32 v1, v0;
	_ =	sdelay $0x1  }
0x15c: {  	[tilespmem:s3+$0xFFFFFF40] =	vst v0  }
0x15d: {  	v0 =	vld [tilespmem:s30+$0xFFFFFE90]  }
0x15e: {  	v1 =	vld [tilespmem:s0+$0xFFFFFE90];
	_ =	sdelay $0x4  }
0x15f: {  	s5 =	simm.s32 $0x40;
	v0 =	vadd.f32 v1, v0  }
0x160: {  	s8 =	sor.u32 $0x50, s5  }
0x161: {  	[tilespmem:s8+$0xFC00] =	vst v0  }
0x162: {  	v0 =	vld [tilespmem:s30+$0xFFFFFEA0]  }
0x163: {  	v1 =	vld [tilespmem:s0+$0xFFFFFEA0];
	_ =	sdelay $0x4  }
0x164: {  	v0 =	vadd.f32 v1, v0  }
0x165: {  	s9 =	sor.u32 $0x60, s5  }
0x166: {  	[tilespmem:s9+$0xFC00] =	vst v0  }
0x167: {  	v0 =	vld [tilespmem:s30+$0xFFFFFEB0]  }
0x168: {  	v1 =	vld [tilespmem:s0+$0xFFFFFEB0];
	_ =	sdelay $0x4  }
0x169: {  	v0 =	vadd.f32 v1, v0  }
0x16a: {  	s5 =	sor.u32 $0x70, s5  }
0x16b: {  	[tilespmem:s5+$0xFC00] =	vst v0  }
0x16c: {  	v0 =	vld [tilespmem:s30+$0xFFFFFF00]  }
0x16d: {  	v1 =	vld [tilespmem:s0+$0xFFFFFF00];
	_ =	sdelay $0x4  }
0x16e: {  	v0 =	vadd.f32 v1, v0;
	_ =	sdelay $0x1  }
0x16f: {  	[tilespmem:s3+$0xFFFFFF80] =	vst v0  }
0x170: {  	v0 =	vld [tilespmem:s30+$0xFFFFFF10]  }
0x171: {  	v1 =	vld [tilespmem:s0+$0xFFFFFF10];
	_ =	sdelay $0x4  }
0x172: {  	v0 =	vadd.f32 v1, v0;
	_ =	sdelay $0x1  }
0x173: {  	[tilespmem:s3+$0xFFFFFF90] =	vst v0  }
0x174: {  	v0 =	vld [tilespmem:s30+$0xFFFFFF20]  }
0x175: {  	v1 =	vld [tilespmem:s0+$0xFFFFFF20];
	_ =	sdelay $0x4  }
0x176: {  	v0 =	vadd.f32 v1, v0;
	_ =	sdelay $0x1  }
0x177: {  	[tilespmem:s3+$0xFFFFFFA0] =	vst v0  }
0x178: {  	v0 =	vld [tilespmem:s30+$0xFFFFFF30]  }
0x179: {  	v1 =	vld [tilespmem:s0+$0xFFFFFF30];
	_ =	sdelay $0x4  }
0x17a: {  	v0 =	vadd.f32 v1, v0;
	_ =	sdelay $0x1  }
0x17b: {  	[tilespmem:s3+$0xFFFFFFB0] =	vst v0  }
0x17c: {  	v0 =	vld [tilespmem:s30+$0xFFFFFF80]  }
0x17d: {  	v1 =	vld [tilespmem:s0+$0xFFFFFF80];
	_ =	sdelay $0x4  }
0x17e: {  	v0 =	vadd.f32 v1, v0;
	_ =	sdelay $0x1  }
0x17f: {  	[tilespmem:s3+$0xFFFFFFC0] =	vst v0  }
0x180: {  	v0 =	vld [tilespmem:s30+$0xFFFFFF90]  }
0x181: {  	v1 =	vld [tilespmem:s0+$0xFFFFFF90];
	_ =	sdelay $0x4  }
0x182: {  	s10 =	simm.s32 $0xC0;
	v0 =	vadd.f32 v1, v0  }
0x183: {  	s16 =	sor.u32 $0x50, s10  }
0x184: {  	[tilespmem:s16+$0xFC00] =	vst v0  }
0x185: {  	v0 =	vld [tilespmem:s30+$0xFFFFFFA0]  }
0x186: {  	v1 =	vld [tilespmem:s0+$0xFFFFFFA0];
	_ =	sdelay $0x4  }
0x187: {  	v0 =	vadd.f32 v1, v0  }
0x188: {  	s18 =	sor.u32 $0x60, s10  }
0x189: {  	[tilespmem:s18+$0xFC00] =	vst v0  }
0x18a: {  	v0 =	vld [tilespmem:s30+$0xFFFFFFB0]  }
0x18b: {  	v1 =	vld [tilespmem:s0+$0xFFFFFFB0];
	_ =	sdelay $0x4  }
0x18c: {  	v0 =	vadd.f32 v1, v0  }
0x18d: {  	s5 =	sor.u32 $0x70, s10  }
0x18e: {  	[tilespmem:s5+$0xFC00] =	vst v0  }
0x18f: {  	v0 =	vld [tilespmem:s30+$0x0]  }
0x190: {  	v1 =	vld [tilespmem:s0+$0x0];
	_ =	sdelay $0x4  }
0x191: {  	v0 =	vadd.f32 v1, v0;
	_ =	sdelay $0x1  }
0x192: {  	[tilespmem:s3+$0x0] =	vst v0  }
0x193: {  	v0 =	vld [tilespmem:s30+$0x10]  }
0x194: {  	v1 =	vld [tilespmem:s0+$0x10];
	_ =	sdelay $0x4  }
0x195: {  	v0 =	vadd.f32 v1, v0;
	_ =	sdelay $0x1  }
0x196: {  	[tilespmem:s3+$0x10] =	vst v0  }
0x197: {  	v0 =	vld [tilespmem:s30+$0x20]  }
0x198: {  	v1 =	vld [tilespmem:s0+$0x20];
	_ =	sdelay $0x4  }
0x199: {  	v0 =	vadd.f32 v1, v0;
	_ =	sdelay $0x1  }
0x19a: {  	[tilespmem:s3+$0x20] =	vst v0  }
0x19b: {  	v0 =	vld [tilespmem:s30+$0x30]  }
0x19c: {  	v1 =	vld [tilespmem:s0+$0x30];
	_ =	sdelay $0x4  }
0x19d: {  	v0 =	vadd.f32 v1, v0;
	_ =	sdelay $0x1  }
0x19e: {  	[tilespmem:s3+$0x30] =	vst v0  }
0x19f: {  	v0 =	vld [tilespmem:s30+$0x80]  }
0x1a0: {  	v1 =	vld [tilespmem:s0+$0x80];
	_ =	sdelay $0x4  }
0x1a1: {  	v0 =	vadd.f32 v1, v0;
	_ =	sdelay $0x1  }
0x1a2: {  	[tilespmem:s3+$0x40] =	vst v0  }
0x1a3: {  	v0 =	vld [tilespmem:s30+$0x90]  }
0x1a4: {  	v1 =	vld [tilespmem:s0+$0x90];
	_ =	sdelay $0x4  }
0x1a5: {  	s20 =	simm.s32 $0x140;
	v0 =	vadd.f32 v1, v0  }
0x1a6: {  	s25 =	sor.u32 $0x50, s20  }
0x1a7: {  	[tilespmem:s25+$0xFC00] =	vst v0  }
0x1a8: {  	v0 =	vld [tilespmem:s30+$0xA0]  }
0x1a9: {  	v1 =	vld [tilespmem:s0+$0xA0];
	_ =	sdelay $0x4  }
0x1aa: {  	v0 =	vadd.f32 v1, v0  }
0x1ab: {  	s31 =	sor.u32 $0x60, s20  }
0x1ac: {  	[tilespmem:s31+$0xFC00] =	vst v0  }
0x1ad: {  	v0 =	vld [tilespmem:s30+$0xB0]  }
0x1ae: {  	v1 =	vld [tilespmem:s0+$0xB0];
	_ =	sdelay $0x4  }
0x1af: {  	v0 =	vadd.f32 v1, v0  }
0x1b0: {  	s5 =	sor.u32 $0x70, s20  }
0x1b1: {  	[tilespmem:s5+$0xFC00] =	vst v0  }
0x1b2: {  	v0 =	vld [tilespmem:s30+$0x100]  }
0x1b3: {  	v1 =	vld [tilespmem:s0+$0x100];
	_ =	sdelay $0x4  }
0x1b4: {  	v0 =	vadd.f32 v1, v0;
	_ =	sdelay $0x1  }
0x1b5: {  	[tilespmem:s3+$0x80] =	vst v0  }
0x1b6: {  	v0 =	vld [tilespmem:s30+$0x110]  }
0x1b7: {  	v1 =	vld [tilespmem:s0+$0x110];
	_ =	sdelay $0x4  }
0x1b8: {  	v0 =	vadd.f32 v1, v0;
	_ =	sdelay $0x1  }
0x1b9: {  	[tilespmem:s3+$0x90] =	vst v0  }
0x1ba: {  	v0 =	vld [tilespmem:s30+$0x120]  }
0x1bb: {  	v1 =	vld [tilespmem:s0+$0x120];
	_ =	sdelay $0x4  }
0x1bc: {  	v0 =	vadd.f32 v1, v0;
	_ =	sdelay $0x1  }
0x1bd: {  	[tilespmem:s3+$0xA0] =	vst v0  }
0x1be: {  	v0 =	vld [tilespmem:s30+$0x130]  }
0x1bf: {  	v1 =	vld [tilespmem:s0+$0x130];
	_ =	sdelay $0x4  }
0x1c0: {  	v0 =	vadd.f32 v1, v0;
	_ =	sdelay $0x1  }
0x1c1: {  	[tilespmem:s3+$0xB0] =	vst v0  }
0x1c2: {  	v0 =	vld [tilespmem:s30+$0x180]  }
0x1c3: {  	s8 =	simm.s32 $0x0;
	s9 =	simm.s32 $0x13000;
	v1 =	vld [tilespmem:s0+$0x180]  }
0x1c4: {  	s10 =	simm.s32 $0x9E00;
	s25 =	simm.s32 $0xFF00;
	s5 =	simm.s32 $0x1C0  }
0x1c5: {  	s20 =	sor.u32 $0x50, s5;
	s18 =	sor.u32 $0x60, s5;
	s16 =	sor.u32 $0x70, s5  }
.LBB2_5:
0x1c6: {  	s8 =	sadd.s32 $0x8, s8;
	s5 =	sadd.s32 $0x200, s5;
	s0 =	sadd.s32 $0x400, s0  }
0x1c7: {  	p0 =	slt.u32 s8, $0xC0  }
0x1c8: {  	v0 =	vadd.f32 v1, v0;
	_ =	sdelay $0x1  }
0x1c9: {  	[tilespmem:s3+$0xC0] =	vst v0;
	s3 =	smov.u32 s25  }
0x1ca: {  	v0 =	vld [tilespmem:s30+$0x190]  }
0x1cb: {  	v1 =	vld [tilespmem:s9+$0x190];
	_ =	sdelay $0x4  }
0x1cc: {  	v0 =	vadd.f32 v1, v0;
	_ =	sdelay $0x1  }
0x1cd: {  	[tilespmem:s20+$0xFC00] =	vst v0  }
0x1ce: {  	v0 =	vld [tilespmem:s30+$0x1A0]  }
0x1cf: {  	v1 =	vld [tilespmem:s9+$0x1A0];
	_ =	sdelay $0x4  }
0x1d0: {  	v0 =	vadd.f32 v1, v0;
	_ =	sdelay $0x1  }
0x1d1: {  	[tilespmem:s18+$0xFC00] =	vst v0  }
0x1d2: {  	v0 =	vld [tilespmem:s30+$0x1B0];
	s30 =	smov.u32 s10  }
0x1d3: {  	v1 =	vld [tilespmem:s9+$0x1B0];
	s9 =	smov.u32 s0;
	_ =	sdelay $0x4  }
0x1d4: {  	v0 =	vadd.f32 v1, v0;
	_ =	sdelay $0x1  }
0x1d5: {  	[tilespmem:s16+$0xFC00] =	vst v0  }
0x1d6: {  	v0 =	vld [tilespmem:s10+$0xFFFFFE00]  }
0x1d7: {  	v1 =	vld [tilespmem:s0+$0xFFFFFE00];
	_ =	sdelay $0x4  }
0x1d8: {  	v0 =	vadd.f32 v1, v0;
	_ =	sdelay $0x1  }
0x1d9: {  	[tilespmem:s25+$0xFFFFFF00] =	vst v0  }
0x1da: {  	v0 =	vld [tilespmem:s0+$0xFFFFFE10]  }
0x1db: {  	v1 =	vld [tilespmem:s10+$0xFFFFFE10];
	_ =	sdelay $0x4  }
0x1dc: {  	v0 =	vadd.f32 v0, v1;
	_ =	sdelay $0x1  }
0x1dd: {  	[tilespmem:s25+$0xFFFFFF10] =	vst v0  }
0x1de: {  	v0 =	vld [tilespmem:s10+$0xFFFFFE20]  }
0x1df: {  	v1 =	vld [tilespmem:s0+$0xFFFFFE20];
	_ =	sdelay $0x4  }
0x1e0: {  	v0 =	vadd.f32 v1, v0;
	_ =	sdelay $0x1  }
0x1e1: {  	[tilespmem:s25+$0xFFFFFF20] =	vst v0  }
0x1e2: {  	v0 =	vld [tilespmem:s10+$0xFFFFFE30]  }
0x1e3: {  	v1 =	vld [tilespmem:s0+$0xFFFFFE30];
	_ =	sdelay $0x4  }
0x1e4: {  	v0 =	vadd.f32 v1, v0;
	_ =	sdelay $0x1  }
0x1e5: {  	[tilespmem:s25+$0xFFFFFF30] =	vst v0  }
0x1e6: {  	v0 =	vld [tilespmem:s10+$0xFFFFFE80]  }
0x1e7: {  	v1 =	vld [tilespmem:s0+$0xFFFFFE80];
	_ =	sdelay $0x4  }
0x1e8: {  	v0 =	vadd.f32 v1, v0;
	_ =	sdelay $0x1  }
0x1e9: {  	[tilespmem:s25+$0xFFFFFF40] =	vst v0  }
0x1ea: {  	v0 =	vld [tilespmem:s10+$0xFFFFFE90]  }
0x1eb: {  	s16 =	sadd.s32 $0xFFFFFE80, s5;
	v1 =	vld [tilespmem:s0+$0xFFFFFE90]  }
0x1ec: {  	s18 =	sor.u32 $0x50, s16;
	_ =	sdelay $0x3  }
0x1ed: {  	v0 =	vadd.f32 v1, v0;
	_ =	sdelay $0x1  }
0x1ee: {  	[tilespmem:s18+$0xFC00] =	vst v0  }
0x1ef: {  	v0 =	vld [tilespmem:s10+$0xFFFFFEA0]  }
0x1f0: {  	s18 =	sor.u32 $0x60, s16;
	v1 =	vld [tilespmem:s0+$0xFFFFFEA0];
	_ =	sdelay $0x4  }
0x1f1: {  	v0 =	vadd.f32 v1, v0;
	_ =	sdelay $0x1  }
0x1f2: {  	[tilespmem:s18+$0xFC00] =	vst v0  }
0x1f3: {  	s16 =	sor.u32 $0x70, s16;
	v0 =	vld [tilespmem:s10+$0xFFFFFEB0]  }
0x1f4: {  	v1 =	vld [tilespmem:s0+$0xFFFFFEB0];
	_ =	sdelay $0x4  }
0x1f5: {  	v0 =	vadd.f32 v1, v0;
	_ =	sdelay $0x1  }
0x1f6: {  	[tilespmem:s16+$0xFC00] =	vst v0  }
0x1f7: {  	v0 =	vld [tilespmem:s10+$0xFFFFFF00]  }
0x1f8: {  	v1 =	vld [tilespmem:s0+$0xFFFFFF00];
	_ =	sdelay $0x4  }
0x1f9: {  	v0 =	vadd.f32 v1, v0;
	_ =	sdelay $0x1  }
0x1fa: {  	[tilespmem:s25+$0xFFFFFF80] =	vst v0  }
0x1fb: {  	v0 =	vld [tilespmem:s10+$0xFFFFFF10]  }
0x1fc: {  	v1 =	vld [tilespmem:s0+$0xFFFFFF10];
	_ =	sdelay $0x4  }
0x1fd: {  	v0 =	vadd.f32 v1, v0;
	_ =	sdelay $0x1  }
0x1fe: {  	[tilespmem:s25+$0xFFFFFF90] =	vst v0  }
0x1ff: {  	v0 =	vld [tilespmem:s10+$0xFFFFFF20]  }
0x200: {  	v1 =	vld [tilespmem:s0+$0xFFFFFF20];
	_ =	sdelay $0x4  }
0x201: {  	v0 =	vadd.f32 v1, v0;
	_ =	sdelay $0x1  }
0x202: {  	[tilespmem:s25+$0xFFFFFFA0] =	vst v0  }
0x203: {  	v0 =	vld [tilespmem:s10+$0xFFFFFF30]  }
0x204: {  	v1 =	vld [tilespmem:s0+$0xFFFFFF30];
	_ =	sdelay $0x4  }
0x205: {  	v0 =	vadd.f32 v1, v0;
	_ =	sdelay $0x1  }
0x206: {  	[tilespmem:s25+$0xFFFFFFB0] =	vst v0  }
0x207: {  	v0 =	vld [tilespmem:s10+$0xFFFFFF80]  }
0x208: {  	v1 =	vld [tilespmem:s0+$0xFFFFFF80]  }
0x209: {  	s16 =	sadd.s32 $0xFFFFFF00, s5  }
0x20a: {  	s18 =	sor.u32 $0x50, s16;
	_ =	sdelay $0x2  }
0x20b: {  	v0 =	vadd.f32 v1, v0;
	_ =	sdelay $0x1  }
0x20c: {  	[tilespmem:s25+$0xFFFFFFC0] =	vst v0  }
0x20d: {  	v0 =	vld [tilespmem:s10+$0xFFFFFF90]  }
0x20e: {  	v1 =	vld [tilespmem:s0+$0xFFFFFF90]  }
0x20f: {  	s20 =	sor.u32 $0x60, s16;
	_ =	sdelay $0x3  }
0x210: {  	v0 =	vadd.f32 v1, v0;
	_ =	sdelay $0x1  }
0x211: {  	[tilespmem:s18+$0xFC00] =	vst v0  }
0x212: {  	v0 =	vld [tilespmem:s10+$0xFFFFFFA0]  }
0x213: {  	s16 =	sor.u32 $0x70, s16;
	v1 =	vld [tilespmem:s0+$0xFFFFFFA0];
	_ =	sdelay $0x4  }
0x214: {  	v0 =	vadd.f32 v1, v0;
	_ =	sdelay $0x1  }
0x215: {  	[tilespmem:s20+$0xFC00] =	vst v0  }
0x216: {  	v0 =	vld [tilespmem:s10+$0xFFFFFFB0]  }
0x217: {  	v1 =	vld [tilespmem:s0+$0xFFFFFFB0];
	_ =	sdelay $0x4  }
0x218: {  	v0 =	vadd.f32 v1, v0;
	_ =	sdelay $0x1  }
0x219: {  	[tilespmem:s16+$0xFC00] =	vst v0  }
0x21a: {  	v0 =	vld [tilespmem:s10+$0x0]  }
0x21b: {  	v1 =	vld [tilespmem:s0+$0x0];
	_ =	sdelay $0x4  }
0x21c: {  	v0 =	vadd.f32 v1, v0;
	_ =	sdelay $0x1  }
0x21d: {  	[tilespmem:s25+$0x0] =	vst v0  }
0x21e: {  	v0 =	vld [tilespmem:s10+$0x10]  }
0x21f: {  	v1 =	vld [tilespmem:s0+$0x10];
	_ =	sdelay $0x4  }
0x220: {  	v0 =	vadd.f32 v1, v0;
	_ =	sdelay $0x1  }
0x221: {  	[tilespmem:s25+$0x10] =	vst v0  }
0x222: {  	v0 =	vld [tilespmem:s10+$0x20]  }
0x223: {  	v1 =	vld [tilespmem:s0+$0x20];
	_ =	sdelay $0x4  }
0x224: {  	v0 =	vadd.f32 v1, v0;
	_ =	sdelay $0x1  }
0x225: {  	[tilespmem:s25+$0x20] =	vst v0  }
0x226: {  	v0 =	vld [tilespmem:s10+$0x30]  }
0x227: {  	v1 =	vld [tilespmem:s0+$0x30];
	_ =	sdelay $0x1  }
0x228: {  	s16 =	sadd.s32 $0xFFFFFF80, s5  }
0x229: {  	s18 =	sor.u32 $0x50, s16;
	_ =	sdelay $0x1  }
0x22a: {  	v0 =	vadd.f32 v1, v0;
	_ =	sdelay $0x1  }
0x22b: {  	[tilespmem:s25+$0x30] =	vst v0  }
0x22c: {  	v0 =	vld [tilespmem:s10+$0x80]  }
0x22d: {  	v1 =	vld [tilespmem:s0+$0x80];
	_ =	sdelay $0x1  }
0x22e: {  	s20 =	sor.u32 $0x60, s16;
	_ =	sdelay $0x2  }
0x22f: {  	v0 =	vadd.f32 v1, v0;
	_ =	sdelay $0x1  }
0x230: {  	[tilespmem:s25+$0x40] =	vst v0  }
0x231: {  	v0 =	vld [tilespmem:s10+$0x90]  }
0x232: {  	v1 =	vld [tilespmem:s0+$0x90]  }
0x233: {  	s16 =	sor.u32 $0x70, s16;
	_ =	sdelay $0x3  }
0x234: {  	v0 =	vadd.f32 v1, v0;
	_ =	sdelay $0x1  }
0x235: {  	[tilespmem:s18+$0xFC00] =	vst v0  }
0x236: {  	v0 =	vld [tilespmem:s10+$0xA0]  }
0x237: {  	v1 =	vld [tilespmem:s0+$0xA0];
	_ =	sdelay $0x4  }
0x238: {  	v0 =	vadd.f32 v1, v0;
	_ =	sdelay $0x1  }
0x239: {  	[tilespmem:s20+$0xFC00] =	vst v0  }
0x23a: {  	v0 =	vld [tilespmem:s10+$0xB0]  }
0x23b: {  	v1 =	vld [tilespmem:s0+$0xB0];
	_ =	sdelay $0x4  }
0x23c: {  	v0 =	vadd.f32 v1, v0;
	_ =	sdelay $0x1  }
0x23d: {  	[tilespmem:s16+$0xFC00] =	vst v0  }
0x23e: {  	v0 =	vld [tilespmem:s10+$0x100]  }
0x23f: {  	v1 =	vld [tilespmem:s0+$0x100];
	_ =	sdelay $0x4  }
0x240: {  	v0 =	vadd.f32 v1, v0;
	_ =	sdelay $0x1  }
0x241: {  	[tilespmem:s25+$0x80] =	vst v0  }
0x242: {  	v0 =	vld [tilespmem:s10+$0x110]  }
0x243: {  	v1 =	vld [tilespmem:s0+$0x110];
	_ =	sdelay $0x4  }
0x244: {  	v0 =	vadd.f32 v1, v0;
	_ =	sdelay $0x1  }
0x245: {  	[tilespmem:s25+$0x90] =	vst v0  }
0x246: {  	v0 =	vld [tilespmem:s10+$0x120]  }
0x247: {  	v1 =	vld [tilespmem:s0+$0x120];
	_ =	sdelay $0x3  }
0x248: {  	s20 =	sor.u32 $0x50, s5  }
0x249: {  	v0 =	vadd.f32 v1, v0;
	_ =	sdelay $0x1  }
0x24a: {  	[tilespmem:s25+$0xA0] =	vst v0  }
0x24b: {  	v0 =	vld [tilespmem:s10+$0x130]  }
0x24c: {  	v1 =	vld [tilespmem:s0+$0x130];
	_ =	sdelay $0x2  }
0x24d: {  	s18 =	sor.u32 $0x60, s5;
	_ =	sdelay $0x1  }
0x24e: {  	v0 =	vadd.f32 v1, v0;
	_ =	sdelay $0x1  }
.Ltmp1:
0x24f: {  	[tilespmem:s25+$0xB0] =	vst v0;
	(pc) =	sbr.rel @p0 .LBB2_5-.Ltmp1, $3  }
0x250: {  	v0 =	vld [tilespmem:s10+$0x180]  }
0x251: {  	v1 =	vld [tilespmem:s0+$0x180];
	_ =	sdelay $0x1  }
0x252: {  	s16 =	sor.u32 $0x70, s5;
	s25 =	sadd.s32 $0x200, s25;
	s10 =	sadd.s32 $0x400, s10  }
0x253: {  	_ =	sdelay $0x1  }
0x254: {  	v0 =	vadd.f32 v1, v0;
	_ =	sdelay $0x1  }
0x255: {  	[tilespmem:s3+$0xC0] =	vst v0  }
0x256: {  	v0 =	vld [tilespmem:s30+$0x190]  }
0x257: {  	v61 =	vld [tilespmem:s9+$0x190];
	_ =	sdelay $0x4  }
0x258: {  	v0 =	vadd.f32 v61, v0;
	_ =	sdelay $0x1  }
0x259: {  	[tilespmem:s20+$0xFC00] =	vst v0  }
0x25a: {  	v0 =	vld [tilespmem:s30+$0x1A0]  }
0x25b: {  	v62 =	vld [tilespmem:s9+$0x1A0];
	_ =	sdelay $0x4  }
0x25c: {  	v0 =	vadd.f32 v62, v0;
	_ =	sdelay $0x1  }
0x25d: {  	[tilespmem:s18+$0xFC00] =	vst v0  }
0x25e: {  	v0 =	vld [tilespmem:s30+$0x1B0]  }
0x25f: {  	v63 =	vld [tilespmem:s9+$0x1B0];
	_ =	sdelay $0x4  }
0x260: {  	s0 =	sor.u32 s28, s29;
	v0 =	vadd.f32 v63, v0  }
0x261: {  	s0 =	sshrl.u32 s0, $0x3  }
0x262: {  	s26 =	sadd.s32 $0x1, s26;
	s0 =	sadd.s32 s6, s0;
	[tilespmem:s16+$0xFC00] =	vst v0  }
0x263: {  	[hbm4b:s0+s11] =	stream.strided.scatter [tilespmem:s22], [sflag:$0x6], $0x3200, s12, s11, $0x38;
	[tilespmem:$0x19200] =	vst v63  }
0x264: {  	p0 =	sne.s32 s26, $0x40;
	_ =	swait.ge [sflag:s23], $0x3200  }
.Ltmp2:
0x265: {  	[sflag:s23] =	ssyncset.done $0x0;
	(pc) =	sbr.rel @p0 .LBB2_2-.Ltmp2, $4  }
0x266: {  	[sflag:s23] =	ssyncadd.s32 $0xFFFFCE00  }
0x267: {  	_ =	swait.ge [sflag:s24], $0x3200  }
0x268: {  	[sflag:s24] =	ssyncset.done $0x0  }
0x269: {  	[sflag:s24] =	ssyncadd.s32 $0xFFFFCE00  }
0x26a: {  	s3 =	rddreg [dreg:$0x5]  }
0x26b: {  	s0 =	rddreg [dreg:$0x4];
	s3 =	sadd.s32 $0x1, s3  }
0x26c: {  	p0 =	sne.s32 s3, s0  }
.Ltmp3:
0x26d: {  	_ = 	snop;
	(pc) =	sbr.rel @p0 .LBB2_1-.Ltmp3, $1  }
0x26e: {  	_ =	sdelay $0x3  }
0x26f: {  	_ =	sfence.sel $0x180000  }
0x270: {  	[bflag:$0x0] =	sbarrier.arrive $0xFFFF  }
0x271: {  	_ =	strace $0x90000047  }
0x272: {  	s0 =	stileid.u32;
	[bflag:$0x2] =	sbarrier.arrive $0xFFFF  }
0x273: {  	p0 =	sne.s32 s0, $0x0;
	s0 =	rddreg [dreg:$0x2]  }
0x274: {  	s0 =	sadd.s32 @!p0 $0x100000, s0  }
0x275: {  	[sflag:s0] =	ssyncadd.tile.s32 @!p0 $0x1;
	_ =	shalt  }
.Lfunc_end2:
_tile_overlayer_lowered:
.L_overlay_start_2:
0x276: {  	(tag) =	ssettag $0x2  }
0x277: {  	s0 =	rddreg [dreg:$0x0];
	s2 =	stileid.u32  }
0x278: {  	s1 =	rddreg [dreg:$0x1];
	p0 =	sne.s32 s2, $0x0  }
0x279: {  	s3 =	rddreg [dreg:$0x2];
	[bflag:$0x3] =	sbarrier.arrive $0xFFFF;
	s2 =	simm.s32 @!p0 $0x1C07  }
0x27a: {  	[timem:s3], [sflag:s2] =	dma.local @!p0 [hbm:s0], s1  }
0x27b: {  	s0 =	simm.s32 @!p0 $0x7  }
0x27c: {  	_ =	swait.ge @!p0 [sflag:s0], s1  }
0x27d: {  	s1 =	ssub.s32 @!p0 $0x0, s1;
	[sflag:s0] =	ssyncset.done @!p0 $0x0  }
0x27e: {  	[sflag:s0] =	ssyncadd.s32 @!p0 s1  }
0x27f: {  	[bflag:$0x3] =	sbarrier.arrive $0xFFFF  }
0x280: {  	_ =	shalt  }

</sc_bundles>
